<compile_context>
chip_gen: v7x
topology: tpu7x:2x2x1
jax: 0.10.2.dev20260603
libtpu: 0.0.44.dev20260713+nightly
codegen_flags: <defaults>
</compile_context>

<pallas_src>
import functools

import jax
import jax.numpy as jnp
from jax import lax
from jax.experimental import pallas as pl
from jax.experimental.pallas import tpu as pltpu
from jax.experimental.pallas import tpu_sc as plsc

_V = 1_000_000
_E = 64
_B = 4096
_L = 200

_NC = 2
_NS = 16
_NW = _NC * _NS
_BLK = _B // _NW
_K = 4
_NCHUNK = _L // _K

_mesh = plsc.VectorSubcoreMesh(
    core_axis_name="c", subcore_axis_name="s", num_cores=_NC, num_subcores=_NS
)


@functools.partial(
    pl.kernel,
    mesh=_mesh,
    out_type=jax.ShapeDtypeStruct((_L, _B, _E), jnp.float32),
    scratch_types=[
        pltpu.VMEM((_L, _BLK), jnp.int32),
        pltpu.VMEM((_K, _BLK, _E), jnp.float32),
        pltpu.VMEM((_K, _BLK, _E), jnp.float32),
        pltpu.SemaphoreType.DMA,
        pltpu.SemaphoreType.DMA,
        pltpu.SemaphoreType.DMA,
        pltpu.SemaphoreType.DMA,
    ],
    compiler_params=pltpu.CompilerParams(use_tc_tiling_on_sc=False),
)
def _gather_kernel(xt_hbm, table_hbm, out_hbm, idx_v, rows_a, rows_b,
                   sg_a, sg_b, sw_a, sw_b):
    wid = lax.axis_index("s") * _NC + lax.axis_index("c")
    b0 = wid * _BLK

    pltpu.sync_copy(xt_hbm.at[:, pl.ds(b0, _BLK)], idx_v)

    def fire_gather(chunk, buf, sem):
        return [
            pltpu.async_copy(
                table_hbm.at[idx_v.at[chunk * _K + j]], buf.at[j], sem
            )
            for j in range(_K)
        ]

    def fire_wb(chunk, buf, sem):
        return pltpu.async_copy(
            buf, out_hbm.at[pl.ds(chunk * _K, _K), pl.ds(b0, _BLK)], sem
        )

    def wait_wb(buf, sem):
        pltpu.make_async_copy(
            buf, out_hbm.at[pl.ds(0, _K), pl.ds(b0, _BLK)], sem
        ).wait()

    @pl.loop(0, _NCHUNK // 2)
    def _pair(p):
        c0 = 2 * p

        @pl.when(p > 0)
        def _():
            wait_wb(rows_a, sw_a)

        g0 = fire_gather(c0, rows_a, sg_a)

        @pl.when(p > 0)
        def _():
            wait_wb(rows_b, sw_b)

        g1 = fire_gather(c0 + 1, rows_b, sg_b)
        for c in g0:
            c.wait()
        fire_wb(c0, rows_a, sw_a)
        for c in g1:
            c.wait()
        fire_wb(c0 + 1, rows_b, sw_b)

    wait_wb(rows_a, sw_a)
    wait_wb(rows_b, sw_b)


def kernel(x, vocab):
    table = vocab.reshape(_V, _E)
    out_lbe = _gather_kernel(x.T, table)
    return jnp.transpose(out_lbe, (1, 0, 2))

# --- scband reference (transcript-rebuilt; emitter-appended) ---
"""Pipeline reference for scband-token-vocab-38242388804079 (READ-ONLY COPY).

The authoritative reference and input builder live on the scoring server;
editing this copy changes nothing except your own understanding.
"""

import jax, jax.numpy as jnp
import numpy as np

VOCAB_SIZE = 1000000
E_SIZE = 64
BATCH = 4096
HIST_LEN = 200

def setup_inputs(seed: int = 0) -> dict:
    key = jax.random.key(seed)
    k1, k2 = jax.random.split(key)
    x = jax.random.randint(k1, (BATCH, HIST_LEN), 0, VOCAB_SIZE, dtype=jnp.int32)
    # learned vocab param per flax setup: shape (vocab_size, 1, e_size)
    vocab = jax.random.normal(k2, (VOCAB_SIZE, 1, E_SIZE), dtype=jnp.float32) * 0.02
    return {"x": x, "vocab": vocab}

def reference(x, vocab):
    # TokenVocab.__call__ with logits=False:
    # jnp.take_along_axis(vocab, expand_dims(x, -1), axis=0)
    # vocab: [V, 1, E], idx: [B, L, 1] -> broadcast gather -> [B, L, E]
    idx = jnp.expand_dims(x, axis=-1)
    return jnp.take_along_axis(vocab, idx, axis=0)

if __name__ == "__main__":
    import jax
    _d = setup_inputs()
    print(jax.jit(kernel)(*tuple(_d.values())))

</pallas_src>

<mosaic_0001>
#map = affine_map<(d0, d1) -> (0, 0)>
#map1 = affine_map<(d0, d1) -> (0, 0, 0)>
module attributes {stable_mosaic.version = 14 : i64} {
  func.func @_gather_kernel(%arg0: i32, %arg1: i32, %arg2: memref<200x4096xi32, #tpu.memory_space<hbm>>, %arg3: memref<1000000x64xf32, #tpu.memory_space<hbm>>, %arg4: memref<200x4096x64xf32, #tpu.memory_space<hbm>>, %arg5: memref<200x128xi32, #tpu.memory_space<vmem>>, %arg6: memref<4x128x64xf32, #tpu.memory_space<vmem>>, %arg7: memref<4x128x64xf32, #tpu.memory_space<vmem>>, %arg8: memref<!tpu.dma_semaphore, #tpu.memory_space<semaphore_mem>>, %arg9: memref<!tpu.dma_semaphore, #tpu.memory_space<semaphore_mem>>, %arg10: memref<!tpu.dma_semaphore, #tpu.memory_space<semaphore_mem>>, %arg11: memref<!tpu.dma_semaphore, #tpu.memory_space<semaphore_mem>>) attributes {dimension_semantics = [#tpu.dimension_semantics<core_parallel>, #tpu.dimension_semantics<subcore_parallel>], iteration_bounds = array<i64: 2, 16>, scalar_prefetch = 0 : i64, scratch_operands = 7 : i64, tpu.core_type = #tpu.core_type<sc_vector_subcore>, window_params = [{transform_indices = #map}, {transform_indices = #map}, {transform_indices = #map1}]} {
    %mul3A = arith.constant 2 : i32
    %mul3A_0 = arith.muli %arg1, %mul3A : i32
    %add3A = arith.addi %mul3A_0, %arg0 : i32
    %mul3A_1 = arith.constant 128 : i32
    %mul3A_2 = arith.muli %add3A, %mul3A_1 : i32
    "tpu.region"() ({
      %run_scoped3A = tpu.sem_alloc : memref<!tpu.dma_semaphore, #tpu.memory_space<semaphore_mem>>
      %dma_start3A = arith.constant 0 : i32
      %dma_start3A_18 = tpu.memref_slice %arg2[%dma_start3A, %mul3A_2] : memref<200x4096xi32, #tpu.memory_space<hbm>> -> memref<200x128xi32, #tpu.memory_space<hbm>>
      %dma_start3A_19 = arith.constant 0 : i32
      %dma_start3A_20 = tpu.memref_slice %arg2[%dma_start3A_19, %mul3A_2] : memref<200x4096xi32, #tpu.memory_space<hbm>> -> memref<200x128xi32, #tpu.memory_space<hbm>>
      tpu.enqueue_dma source(%dma_start3A_20 : memref<200x128xi32, #tpu.memory_space<hbm>>) target(%arg5 : memref<200x128xi32, #tpu.memory_space<vmem>>) target_semaphore(%run_scoped3A : memref<!tpu.dma_semaphore, #tpu.memory_space<semaphore_mem>>)
      %dma_wait3A_21 = arith.constant 0 : i32
      %dma_wait3A_22 = tpu.memref_slice %arg2[%dma_wait3A_21, %mul3A_2] : memref<200x4096xi32, #tpu.memory_space<hbm>> -> memref<200x128xi32, #tpu.memory_space<hbm>>
      %dma_wait3A_23 = arith.constant 0 : i32
      %dma_wait3A_24 = tpu.memref_slice %arg2[%dma_wait3A_23, %mul3A_2] : memref<200x4096xi32, #tpu.memory_space<hbm>> -> memref<200x128xi32, #tpu.memory_space<hbm>>
      tpu.wait_dma2 semaphore(%run_scoped3A : memref<!tpu.dma_semaphore, #tpu.memory_space<semaphore_mem>>) src(%dma_wait3A_24 : memref<200x128xi32, #tpu.memory_space<hbm>>) dst(%arg5 : memref<200x128xi32, #tpu.memory_space<vmem>>)
      tpu.yield
    }) : () -> ()
    %scan3A = arith.constant 0 : i32
    %scan3A_3 = arith.constant 25 : i32
    %scan3A_4 = arith.addi %scan3A, %scan3A_3 : i32
    %scan3A_5 = arith.constant 1 : i32
    scf.for %scan3A_18 = %scan3A to %scan3A_4 step %scan3A_5  : i32 {
      %mul3A_19 = arith.constant 1 : i32
      %mul3A_20 = arith.muli %scan3A_18, %mul3A_19 : i32
      %add3A_21 = arith.constant 0 : i32
      %add3A_22 = arith.addi %add3A_21, %mul3A_20 : i32
      %mul3A_23 = arith.constant 2 : i32
      %mul3A_24 = arith.muli %mul3A_23, %add3A_22 : i32
      %gt3A = arith.constant 0 : i32
      %gt3A_25 = arith.cmpi sgt, %add3A_22, %gt3A : i32
      %convert_element_type3A = arith.extui %gt3A_25 : i1 to i32
      %cond3A = arith.constant 0 : i32
      %cond3A_26 = arith.cmpi ne, %convert_element_type3A, %cond3A : i32
      scf.if %cond3A_26 {
        %dma_wait3A_255 = arith.constant 0 : i32
        %dma_wait3A_256 = arith.constant 0 : i32
        %dma_wait3A_257 = tpu.memref_slice %arg4[%dma_wait3A_255, %mul3A_2, %dma_wait3A_256] : memref<200x4096x64xf32, #tpu.memory_space<hbm>> -> memref<4x128x64xf32, #tpu.memory_space<hbm>>
        %dma_wait3A_258 = arith.constant 0 : i32
        %dma_wait3A_259 = arith.constant 0 : i32
        %dma_wait3A_260 = tpu.memref_slice %arg4[%dma_wait3A_258, %mul3A_2, %dma_wait3A_259] : memref<200x4096x64xf32, #tpu.memory_space<hbm>> -> memref<4x128x64xf32, #tpu.memory_space<hbm>>
        tpu.wait_dma2 semaphore(%arg10 : memref<!tpu.dma_semaphore, #tpu.memory_space<semaphore_mem>>) src(%arg6 : memref<4x128x64xf32, #tpu.memory_space<vmem>>) dst(%dma_wait3A_260 : memref<4x128x64xf32, #tpu.memory_space<hbm>>)
      } else {
      }
      %mul3A_27 = arith.constant 4 : i32
      %mul3A_28 = arith.muli %mul3A_24, %mul3A_27 : i32
      %add3A_29 = arith.constant 0 : i32
      %add3A_30 = arith.addi %mul3A_28, %add3A_29 : i32
      %dma_start3A = arith.constant 0 : i32
      %dma_start3A_31 = arith.constant 0 : i32
      %dma_start3A_32 = arith.constant 0 : i32
      %dma_start3A_33 = tpu.memref_slice %arg6[%dma_start3A, %dma_start3A_31, %dma_start3A_32] : memref<4x128x64xf32, #tpu.memory_space<vmem>> -> memref<1x128x64xf32, #tpu.memory_space<vmem>>
      %dma_start3A_34 = tpu.memref_squeeze %dma_start3A_33 : memref<1x128x64xf32, #tpu.memory_space<vmem>> -> memref<128x64xf32, #tpu.memory_space<vmem>>
      %dma_start3A_35 = arith.constant 0 : i32
      %dma_start3A_36 = tpu.memref_slice %arg5[%add3A_30, %dma_start3A_35] : memref<200x128xi32, #tpu.memory_space<vmem>> -> memref<1x128xi32, #tpu.memory_space<vmem>>
      %dma_start3A_37 = tpu.memref_squeeze %dma_start3A_36 : memref<1x128xi32, #tpu.memory_space<vmem>> -> memref<128xi32, #tpu.memory_space<vmem>>
      %dma_start3A_38 = arith.constant 0 : i32
      %dma_start3A_39 = arith.constant 0 : i32
      %dma_start3A_40 = tpu.memref_slice %arg3[%dma_start3A_38, %dma_start3A_39] : memref<1000000x64xf32, #tpu.memory_space<hbm>> -> memref<1000000x64xf32, #tpu.memory_space<hbm>>
      tpu.enqueue_indirect_dma source(%dma_start3A_40 : memref<1000000x64xf32, #tpu.memory_space<hbm>>) target(%dma_start3A_34 : memref<128x64xf32, #tpu.memory_space<vmem>>) offsets(%dma_start3A_37 : memref<128xi32, #tpu.memory_space<vmem>>) semaphore(%arg8 : memref<!tpu.dma_semaphore, #tpu.memory_space<semaphore_mem>>)
      %mul3A_41 = arith.constant 4 : i32
      %mul3A_42 = arith.muli %mul3A_24, %mul3A_41 : i32
      %add3A_43 = arith.constant 1 : i32
      %add3A_44 = arith.addi %mul3A_42, %add3A_43 : i32
      %dma_start3A_45 = arith.constant 1 : i32
      %dma_start3A_46 = arith.constant 0 : i32
      %dma_start3A_47 = arith.constant 0 : i32
      %dma_start3A_48 = tpu.memref_slice %arg6[%dma_start3A_45, %dma_start3A_46, %dma_start3A_47] : memref<4x128x64xf32, #tpu.memory_space<vmem>> -> memref<1x128x64xf32, #tpu.memory_space<vmem>>
      %dma_start3A_49 = tpu.memref_squeeze %dma_start3A_48 : memref<1x128x64xf32, #tpu.memory_space<vmem>> -> memref<128x64xf32, #tpu.memory_space<vmem>>
      %dma_start3A_50 = arith.constant 0 : i32
      %dma_start3A_51 = tpu.memref_slice %arg5[%add3A_44, %dma_start3A_50] : memref<200x128xi32, #tpu.memory_space<vmem>> -> memref<1x128xi32, #tpu.memory_space<vmem>>
      %dma_start3A_52 = tpu.memref_squeeze %dma_start3A_51 : memref<1x128xi32, #tpu.memory_space<vmem>> -> memref<128xi32, #tpu.memory_space<vmem>>
      %dma_start3A_53 = arith.constant 0 : i32
      %dma_start3A_54 = arith.constant 0 : i32
      %dma_start3A_55 = tpu.memref_slice %arg3[%dma_start3A_53, %dma_start3A_54] : memref<1000000x64xf32, #tpu.memory_space<hbm>> -> memref<1000000x64xf32, #tpu.memory_space<hbm>>
      tpu.enqueue_indirect_dma source(%dma_start3A_55 : memref<1000000x64xf32, #tpu.memory_space<hbm>>) target(%dma_start3A_49 : memref<128x64xf32, #tpu.memory_space<vmem>>) offsets(%dma_start3A_52 : memref<128xi32, #tpu.memory_space<vmem>>) semaphore(%arg8 : memref<!tpu.dma_semaphore, #tpu.memory_space<semaphore_mem>>)
      %mul3A_56 = arith.constant 4 : i32
      %mul3A_57 = arith.muli %mul3A_24, %mul3A_56 : i32
      %add3A_58 = arith.constant 2 : i32
      %add3A_59 = arith.addi %mul3A_57, %add3A_58 : i32
      %dma_start3A_60 = arith.constant 2 : i32
      %dma_start3A_61 = arith.constant 0 : i32
      %dma_start3A_62 = arith.constant 0 : i32
      %dma_start3A_63 = tpu.memref_slice %arg6[%dma_start3A_60, %dma_start3A_61, %dma_start3A_62] : memref<4x128x64xf32, #tpu.memory_space<vmem>> -> memref<1x128x64xf32, #tpu.memory_space<vmem>>
      %dma_start3A_64 = tpu.memref_squeeze %dma_start3A_63 : memref<1x128x64xf32, #tpu.memory_space<vmem>> -> memref<128x64xf32, #tpu.memory_space<vmem>>
      %dma_start3A_65 = arith.constant 0 : i32
      %dma_start3A_66 = tpu.memref_slice %arg5[%add3A_59, %dma_start3A_65] : memref<200x128xi32, #tpu.memory_space<vmem>> -> memref<1x128xi32, #tpu.memory_space<vmem>>
      %dma_start3A_67 = tpu.memref_squeeze %dma_start3A_66 : memref<1x128xi32, #tpu.memory_space<vmem>> -> memref<128xi32, #tpu.memory_space<vmem>>
      %dma_start3A_68 = arith.constant 0 : i32
      %dma_start3A_69 = arith.constant 0 : i32
      %dma_start3A_70 = tpu.memref_slice %arg3[%dma_start3A_68, %dma_start3A_69] : memref<1000000x64xf32, #tpu.memory_space<hbm>> -> memref<1000000x64xf32, #tpu.memory_space<hbm>>
      tpu.enqueue_indirect_dma source(%dma_start3A_70 : memref<1000000x64xf32, #tpu.memory_space<hbm>>) target(%dma_start3A_64 : memref<128x64xf32, #tpu.memory_space<vmem>>) offsets(%dma_start3A_67 : memref<128xi32, #tpu.memory_space<vmem>>) semaphore(%arg8 : memref<!tpu.dma_semaphore, #tpu.memory_space<semaphore_mem>>)
      %mul3A_71 = arith.constant 4 : i32
      %mul3A_72 = arith.muli %mul3A_24, %mul3A_71 : i32
      %add3A_73 = arith.constant 3 : i32
      %add3A_74 = arith.addi %mul3A_72, %add3A_73 : i32
      %dma_start3A_75 = arith.constant 3 : i32
      %dma_start3A_76 = arith.constant 0 : i32
      %dma_start3A_77 = arith.constant 0 : i32
      %dma_start3A_78 = tpu.memref_slice %arg6[%dma_start3A_75, %dma_start3A_76, %dma_start3A_77] : memref<4x128x64xf32, #tpu.memory_space<vmem>> -> memref<1x128x64xf32, #tpu.memory_space<vmem>>
      %dma_start3A_79 = tpu.memref_squeeze %dma_start3A_78 : memref<1x128x64xf32, #tpu.memory_space<vmem>> -> memref<128x64xf32, #tpu.memory_space<vmem>>
      %dma_start3A_80 = arith.constant 0 : i32
      %dma_start3A_81 = tpu.memref_slice %arg5[%add3A_74, %dma_start3A_80] : memref<200x128xi32, #tpu.memory_space<vmem>> -> memref<1x128xi32, #tpu.memory_space<vmem>>
      %dma_start3A_82 = tpu.memref_squeeze %dma_start3A_81 : memref<1x128xi32, #tpu.memory_space<vmem>> -> memref<128xi32, #tpu.memory_space<vmem>>
      %dma_start3A_83 = arith.constant 0 : i32
      %dma_start3A_84 = arith.constant 0 : i32
      %dma_start3A_85 = tpu.memref_slice %arg3[%dma_start3A_83, %dma_start3A_84] : memref<1000000x64xf32, #tpu.memory_space<hbm>> -> memref<1000000x64xf32, #tpu.memory_space<hbm>>
      tpu.enqueue_indirect_dma source(%dma_start3A_85 : memref<1000000x64xf32, #tpu.memory_space<hbm>>) target(%dma_start3A_79 : memref<128x64xf32, #tpu.memory_space<vmem>>) offsets(%dma_start3A_82 : memref<128xi32, #tpu.memory_space<vmem>>) semaphore(%arg8 : memref<!tpu.dma_semaphore, #tpu.memory_space<semaphore_mem>>)
      %gt3A_86 = arith.constant 0 : i32
      %gt3A_87 = arith.cmpi sgt, %add3A_22, %gt3A_86 : i32
      %convert_element_type3A_88 = arith.extui %gt3A_87 : i1 to i32
      %cond3A_89 = arith.constant 0 : i32
      %cond3A_90 = arith.cmpi ne, %convert_element_type3A_88, %cond3A_89 : i32
      scf.if %cond3A_90 {
        %dma_wait3A_255 = arith.constant 0 : i32
        %dma_wait3A_256 = arith.constant 0 : i32
        %dma_wait3A_257 = tpu.memref_slice %arg4[%dma_wait3A_255, %mul3A_2, %dma_wait3A_256] : memref<200x4096x64xf32, #tpu.memory_space<hbm>> -> memref<4x128x64xf32, #tpu.memory_space<hbm>>
        %dma_wait3A_258 = arith.constant 0 : i32
        %dma_wait3A_259 = arith.constant 0 : i32
        %dma_wait3A_260 = tpu.memref_slice %arg4[%dma_wait3A_258, %mul3A_2, %dma_wait3A_259] : memref<200x4096x64xf32, #tpu.memory_space<hbm>> -> memref<4x128x64xf32, #tpu.memory_space<hbm>>
        tpu.wait_dma2 semaphore(%arg11 : memref<!tpu.dma_semaphore, #tpu.memory_space<semaphore_mem>>) src(%arg7 : memref<4x128x64xf32, #tpu.memory_space<vmem>>) dst(%dma_wait3A_260 : memref<4x128x64xf32, #tpu.memory_space<hbm>>)
      } else {
      }
      %add3A_91 = arith.constant 1 : i32
      %add3A_92 = arith.addi %mul3A_24, %add3A_91 : i32
      %mul3A_93 = arith.constant 4 : i32
      %mul3A_94 = arith.muli %add3A_92, %mul3A_93 : i32
      %add3A_95 = arith.constant 0 : i32
      %add3A_96 = arith.addi %mul3A_94, %add3A_95 : i32
      %dma_start3A_97 = arith.constant 0 : i32
      %dma_start3A_98 = arith.constant 0 : i32
      %dma_start3A_99 = arith.constant 0 : i32
      %dma_start3A_100 = tpu.memref_slice %arg7[%dma_start3A_97, %dma_start3A_98, %dma_start3A_99] : memref<4x128x64xf32, #tpu.memory_space<vmem>> -> memref<1x128x64xf32, #tpu.memory_space<vmem>>
      %dma_start3A_101 = tpu.memref_squeeze %dma_start3A_100 : memref<1x128x64xf32, #tpu.memory_space<vmem>> -> memref<128x64xf32, #tpu.memory_space<vmem>>
      %dma_start3A_102 = arith.constant 0 : i32
      %dma_start3A_103 = tpu.memref_slice %arg5[%add3A_96, %dma_start3A_102] : memref<200x128xi32, #tpu.memory_space<vmem>> -> memref<1x128xi32, #tpu.memory_space<vmem>>
      %dma_start3A_104 = tpu.memref_squeeze %dma_start3A_103 : memref<1x128xi32, #tpu.memory_space<vmem>> -> memref<128xi32, #tpu.memory_space<vmem>>
      %dma_start3A_105 = arith.constant 0 : i32
      %dma_start3A_106 = arith.constant 0 : i32
      %dma_start3A_107 = tpu.memref_slice %arg3[%dma_start3A_105, %dma_start3A_106] : memref<1000000x64xf32, #tpu.memory_space<hbm>> -> memref<1000000x64xf32, #tpu.memory_space<hbm>>
      tpu.enqueue_indirect_dma source(%dma_start3A_107 : memref<1000000x64xf32, #tpu.memory_space<hbm>>) target(%dma_start3A_101 : memref<128x64xf32, #tpu.memory_space<vmem>>) offsets(%dma_start3A_104 : memref<128xi32, #tpu.memory_space<vmem>>) semaphore(%arg9 : memref<!tpu.dma_semaphore, #tpu.memory_space<semaphore_mem>>)
      %mul3A_108 = arith.constant 4 : i32
      %mul3A_109 = arith.muli %add3A_92, %mul3A_108 : i32
      %add3A_110 = arith.constant 1 : i32
      %add3A_111 = arith.addi %mul3A_109, %add3A_110 : i32
      %dma_start3A_112 = arith.constant 1 : i32
      %dma_start3A_113 = arith.constant 0 : i32
      %dma_start3A_114 = arith.constant 0 : i32
      %dma_start3A_115 = tpu.memref_slice %arg7[%dma_start3A_112, %dma_start3A_113, %dma_start3A_114] : memref<4x128x64xf32, #tpu.memory_space<vmem>> -> memref<1x128x64xf32, #tpu.memory_space<vmem>>
      %dma_start3A_116 = tpu.memref_squeeze %dma_start3A_115 : memref<1x128x64xf32, #tpu.memory_space<vmem>> -> memref<128x64xf32, #tpu.memory_space<vmem>>
      %dma_start3A_117 = arith.constant 0 : i32
      %dma_start3A_118 = tpu.memref_slice %arg5[%add3A_111, %dma_start3A_117] : memref<200x128xi32, #tpu.memory_space<vmem>> -> memref<1x128xi32, #tpu.memory_space<vmem>>
      %dma_start3A_119 = tpu.memref_squeeze %dma_start3A_118 : memref<1x128xi32, #tpu.memory_space<vmem>> -> memref<128xi32, #tpu.memory_space<vmem>>
      %dma_start3A_120 = arith.constant 0 : i32
      %dma_start3A_121 = arith.constant 0 : i32
      %dma_start3A_122 = tpu.memref_slice %arg3[%dma_start3A_120, %dma_start3A_121] : memref<1000000x64xf32, #tpu.memory_space<hbm>> -> memref<1000000x64xf32, #tpu.memory_space<hbm>>
      tpu.enqueue_indirect_dma source(%dma_start3A_122 : memref<1000000x64xf32, #tpu.memory_space<hbm>>) target(%dma_start3A_116 : memref<128x64xf32, #tpu.memory_space<vmem>>) offsets(%dma_start3A_119 : memref<128xi32, #tpu.memory_space<vmem>>) semaphore(%arg9 : memref<!tpu.dma_semaphore, #tpu.memory_space<semaphore_mem>>)
      %mul3A_123 = arith.constant 4 : i32
      %mul3A_124 = arith.muli %add3A_92, %mul3A_123 : i32
      %add3A_125 = arith.constant 2 : i32
      %add3A_126 = arith.addi %mul3A_124, %add3A_125 : i32
      %dma_start3A_127 = arith.constant 2 : i32
      %dma_start3A_128 = arith.constant 0 : i32
      %dma_start3A_129 = arith.constant 0 : i32
      %dma_start3A_130 = tpu.memref_slice %arg7[%dma_start3A_127, %dma_start3A_128, %dma_start3A_129] : memref<4x128x64xf32, #tpu.memory_space<vmem>> -> memref<1x128x64xf32, #tpu.memory_space<vmem>>
      %dma_start3A_131 = tpu.memref_squeeze %dma_start3A_130 : memref<1x128x64xf32, #tpu.memory_space<vmem>> -> memref<128x64xf32, #tpu.memory_space<vmem>>
      %dma_start3A_132 = arith.constant 0 : i32
      %dma_start3A_133 = tpu.memref_slice %arg5[%add3A_126, %dma_start3A_132] : memref<200x128xi32, #tpu.memory_space<vmem>> -> memref<1x128xi32, #tpu.memory_space<vmem>>
      %dma_start3A_134 = tpu.memref_squeeze %dma_start3A_133 : memref<1x128xi32, #tpu.memory_space<vmem>> -> memref<128xi32, #tpu.memory_space<vmem>>
      %dma_start3A_135 = arith.constant 0 : i32
      %dma_start3A_136 = arith.constant 0 : i32
      %dma_start3A_137 = tpu.memref_slice %arg3[%dma_start3A_135, %dma_start3A_136] : memref<1000000x64xf32, #tpu.memory_space<hbm>> -> memref<1000000x64xf32, #tpu.memory_space<hbm>>
      tpu.enqueue_indirect_dma source(%dma_start3A_137 : memref<1000000x64xf32, #tpu.memory_space<hbm>>) target(%dma_start3A_131 : memref<128x64xf32, #tpu.memory_space<vmem>>) offsets(%dma_start3A_134 : memref<128xi32, #tpu.memory_space<vmem>>) semaphore(%arg9 : memref<!tpu.dma_semaphore, #tpu.memory_space<semaphore_mem>>)
      %mul3A_138 = arith.constant 4 : i32
      %mul3A_139 = arith.muli %add3A_92, %mul3A_138 : i32
      %add3A_140 = arith.constant 3 : i32
      %add3A_141 = arith.addi %mul3A_139, %add3A_140 : i32
      %dma_start3A_142 = arith.constant 3 : i32
      %dma_start3A_143 = arith.constant 0 : i32
      %dma_start3A_144 = arith.constant 0 : i32
      %dma_start3A_145 = tpu.memref_slice %arg7[%dma_start3A_142, %dma_start3A_143, %dma_start3A_144] : memref<4x128x64xf32, #tpu.memory_space<vmem>> -> memref<1x128x64xf32, #tpu.memory_space<vmem>>
      %dma_start3A_146 = tpu.memref_squeeze %dma_start3A_145 : memref<1x128x64xf32, #tpu.memory_space<vmem>> -> memref<128x64xf32, #tpu.memory_space<vmem>>
      %dma_start3A_147 = arith.constant 0 : i32
      %dma_start3A_148 = tpu.memref_slice %arg5[%add3A_141, %dma_start3A_147] : memref<200x128xi32, #tpu.memory_space<vmem>> -> memref<1x128xi32, #tpu.memory_space<vmem>>
      %dma_start3A_149 = tpu.memref_squeeze %dma_start3A_148 : memref<1x128xi32, #tpu.memory_space<vmem>> -> memref<128xi32, #tpu.memory_space<vmem>>
      %dma_start3A_150 = arith.constant 0 : i32
      %dma_start3A_151 = arith.constant 0 : i32
      %dma_start3A_152 = tpu.memref_slice %arg3[%dma_start3A_150, %dma_start3A_151] : memref<1000000x64xf32, #tpu.memory_space<hbm>> -> memref<1000000x64xf32, #tpu.memory_space<hbm>>
      tpu.enqueue_indirect_dma source(%dma_start3A_152 : memref<1000000x64xf32, #tpu.memory_space<hbm>>) target(%dma_start3A_146 : memref<128x64xf32, #tpu.memory_space<vmem>>) offsets(%dma_start3A_149 : memref<128xi32, #tpu.memory_space<vmem>>) semaphore(%arg9 : memref<!tpu.dma_semaphore, #tpu.memory_space<semaphore_mem>>)
      %dma_wait3A_153 = arith.constant 0 : i32
      %dma_wait3A_154 = arith.constant 0 : i32
      %dma_wait3A_155 = arith.constant 0 : i32
      %dma_wait3A_156 = tpu.memref_slice %arg6[%dma_wait3A_153, %dma_wait3A_154, %dma_wait3A_155] : memref<4x128x64xf32, #tpu.memory_space<vmem>> -> memref<1x128x64xf32, #tpu.memory_space<vmem>>
      %dma_wait3A_157 = tpu.memref_squeeze %dma_wait3A_156 : memref<1x128x64xf32, #tpu.memory_space<vmem>> -> memref<128x64xf32, #tpu.memory_space<vmem>>
      %dma_wait3A_158 = arith.constant 0 : i32
      %dma_wait3A_159 = tpu.memref_slice %arg5[%add3A_30, %dma_wait3A_158] : memref<200x128xi32, #tpu.memory_space<vmem>> -> memref<1x128xi32, #tpu.memory_space<vmem>>
      %dma_wait3A_160 = tpu.memref_squeeze %dma_wait3A_159 : memref<1x128xi32, #tpu.memory_space<vmem>> -> memref<128xi32, #tpu.memory_space<vmem>>
      %dma_wait3A_161 = arith.constant 0 : i32
      %dma_wait3A_162 = arith.constant 0 : i32
      %dma_wait3A_163 = tpu.memref_slice %arg3[%dma_wait3A_161, %dma_wait3A_162] : memref<1000000x64xf32, #tpu.memory_space<hbm>> -> memref<1000000x64xf32, #tpu.memory_space<hbm>>
      tpu.wait_indirect_dma semaphore(%arg8 : memref<!tpu.dma_semaphore, #tpu.memory_space<semaphore_mem>>) src(%dma_wait3A_163 : memref<1000000x64xf32, #tpu.memory_space<hbm>>) dst(%dma_wait3A_157 : memref<128x64xf32, #tpu.memory_space<vmem>>)
      %dma_wait3A_164 = arith.constant 1 : i32
      %dma_wait3A_165 = arith.constant 0 : i32
      %dma_wait3A_166 = arith.constant 0 : i32
      %dma_wait3A_167 = tpu.memref_slice %arg6[%dma_wait3A_164, %dma_wait3A_165, %dma_wait3A_166] : memref<4x128x64xf32, #tpu.memory_space<vmem>> -> memref<1x128x64xf32, #tpu.memory_space<vmem>>
      %dma_wait3A_168 = tpu.memref_squeeze %dma_wait3A_167 : memref<1x128x64xf32, #tpu.memory_space<vmem>> -> memref<128x64xf32, #tpu.memory_space<vmem>>
      %dma_wait3A_169 = arith.constant 0 : i32
      %dma_wait3A_170 = tpu.memref_slice %arg5[%add3A_44, %dma_wait3A_169] : memref<200x128xi32, #tpu.memory_space<vmem>> -> memref<1x128xi32, #tpu.memory_space<vmem>>
      %dma_wait3A_171 = tpu.memref_squeeze %dma_wait3A_170 : memref<1x128xi32, #tpu.memory_space<vmem>> -> memref<128xi32, #tpu.memory_space<vmem>>
      %dma_wait3A_172 = arith.constant 0 : i32
      %dma_wait3A_173 = arith.constant 0 : i32
      %dma_wait3A_174 = tpu.memref_slice %arg3[%dma_wait3A_172, %dma_wait3A_173] : memref<1000000x64xf32, #tpu.memory_space<hbm>> -> memref<1000000x64xf32, #tpu.memory_space<hbm>>
      tpu.wait_indirect_dma semaphore(%arg8 : memref<!tpu.dma_semaphore, #tpu.memory_space<semaphore_mem>>) src(%dma_wait3A_174 : memref<1000000x64xf32, #tpu.memory_space<hbm>>) dst(%dma_wait3A_168 : memref<128x64xf32, #tpu.memory_space<vmem>>)
      %dma_wait3A_175 = arith.constant 2 : i32
      %dma_wait3A_176 = arith.constant 0 : i32
      %dma_wait3A_177 = arith.constant 0 : i32
      %dma_wait3A_178 = tpu.memref_slice %arg6[%dma_wait3A_175, %dma_wait3A_176, %dma_wait3A_177] : memref<4x128x64xf32, #tpu.memory_space<vmem>> -> memref<1x128x64xf32, #tpu.memory_space<vmem>>
      %dma_wait3A_179 = tpu.memref_squeeze %dma_wait3A_178 : memref<1x128x64xf32, #tpu.memory_space<vmem>> -> memref<128x64xf32, #tpu.memory_space<vmem>>
      %dma_wait3A_180 = arith.constant 0 : i32
      %dma_wait3A_181 = tpu.memref_slice %arg5[%add3A_59, %dma_wait3A_180] : memref<200x128xi32, #tpu.memory_space<vmem>> -> memref<1x128xi32, #tpu.memory_space<vmem>>
      %dma_wait3A_182 = tpu.memref_squeeze %dma_wait3A_181 : memref<1x128xi32, #tpu.memory_space<vmem>> -> memref<128xi32, #tpu.memory_space<vmem>>
      %dma_wait3A_183 = arith.constant 0 : i32
      %dma_wait3A_184 = arith.constant 0 : i32
      %dma_wait3A_185 = tpu.memref_slice %arg3[%dma_wait3A_183, %dma_wait3A_184] : memref<1000000x64xf32, #tpu.memory_space<hbm>> -> memref<1000000x64xf32, #tpu.memory_space<hbm>>
      tpu.wait_indirect_dma semaphore(%arg8 : memref<!tpu.dma_semaphore, #tpu.memory_space<semaphore_mem>>) src(%dma_wait3A_185 : memref<1000000x64xf32, #tpu.memory_space<hbm>>) dst(%dma_wait3A_179 : memref<128x64xf32, #tpu.memory_space<vmem>>)
      %dma_wait3A_186 = arith.constant 3 : i32
      %dma_wait3A_187 = arith.constant 0 : i32
      %dma_wait3A_188 = arith.constant 0 : i32
      %dma_wait3A_189 = tpu.memref_slice %arg6[%dma_wait3A_186, %dma_wait3A_187, %dma_wait3A_188] : memref<4x128x64xf32, #tpu.memory_space<vmem>> -> memref<1x128x64xf32, #tpu.memory_space<vmem>>
      %dma_wait3A_190 = tpu.memref_squeeze %dma_wait3A_189 : memref<1x128x64xf32, #tpu.memory_space<vmem>> -> memref<128x64xf32, #tpu.memory_space<vmem>>
      %dma_wait3A_191 = arith.constant 0 : i32
      %dma_wait3A_192 = tpu.memref_slice %arg5[%add3A_74, %dma_wait3A_191] : memref<200x128xi32, #tpu.memory_space<vmem>> -> memref<1x128xi32, #tpu.memory_space<vmem>>
      %dma_wait3A_193 = tpu.memref_squeeze %dma_wait3A_192 : memref<1x128xi32, #tpu.memory_space<vmem>> -> memref<128xi32, #tpu.memory_space<vmem>>
      %dma_wait3A_194 = arith.constant 0 : i32
      %dma_wait3A_195 = arith.constant 0 : i32
      %dma_wait3A_196 = tpu.memref_slice %arg3[%dma_wait3A_194, %dma_wait3A_195] : memref<1000000x64xf32, #tpu.memory_space<hbm>> -> memref<1000000x64xf32, #tpu.memory_space<hbm>>
      tpu.wait_indirect_dma semaphore(%arg8 : memref<!tpu.dma_semaphore, #tpu.memory_space<semaphore_mem>>) src(%dma_wait3A_196 : memref<1000000x64xf32, #tpu.memory_space<hbm>>) dst(%dma_wait3A_190 : memref<128x64xf32, #tpu.memory_space<vmem>>)
      %mul3A_197 = arith.constant 4 : i32
      %mul3A_198 = arith.muli %mul3A_24, %mul3A_197 : i32
      %dma_start3A_199 = arith.constant 0 : i32
      %dma_start3A_200 = tpu.memref_slice %arg4[%mul3A_198, %mul3A_2, %dma_start3A_199] : memref<200x4096x64xf32, #tpu.memory_space<hbm>> -> memref<4x128x64xf32, #tpu.memory_space<hbm>>
      %dma_start3A_201 = arith.constant 0 : i32
      %dma_start3A_202 = tpu.memref_slice %arg4[%mul3A_198, %mul3A_2, %dma_start3A_201] : memref<200x4096x64xf32, #tpu.memory_space<hbm>> -> memref<4x128x64xf32, #tpu.memory_space<hbm>>
      tpu.enqueue_dma source(%arg6 : memref<4x128x64xf32, #tpu.memory_space<vmem>>) target(%dma_start3A_202 : memref<4x128x64xf32, #tpu.memory_space<hbm>>) target_semaphore(%arg10 : memref<!tpu.dma_semaphore, #tpu.memory_space<semaphore_mem>>)
      %dma_wait3A_203 = arith.constant 0 : i32
      %dma_wait3A_204 = arith.constant 0 : i32
      %dma_wait3A_205 = arith.constant 0 : i32
      %dma_wait3A_206 = tpu.memref_slice %arg7[%dma_wait3A_203, %dma_wait3A_204, %dma_wait3A_205] : memref<4x128x64xf32, #tpu.memory_space<vmem>> -> memref<1x128x64xf32, #tpu.memory_space<vmem>>
      %dma_wait3A_207 = tpu.memref_squeeze %dma_wait3A_206 : memref<1x128x64xf32, #tpu.memory_space<vmem>> -> memref<128x64xf32, #tpu.memory_space<vmem>>
      %dma_wait3A_208 = arith.constant 0 : i32
      %dma_wait3A_209 = tpu.memref_slice %arg5[%add3A_96, %dma_wait3A_208] : memref<200x128xi32, #tpu.memory_space<vmem>> -> memref<1x128xi32, #tpu.memory_space<vmem>>
      %dma_wait3A_210 = tpu.memref_squeeze %dma_wait3A_209 : memref<1x128xi32, #tpu.memory_space<vmem>> -> memref<128xi32, #tpu.memory_space<vmem>>
      %dma_wait3A_211 = arith.constant 0 : i32
      %dma_wait3A_212 = arith.constant 0 : i32
      %dma_wait3A_213 = tpu.memref_slice %arg3[%dma_wait3A_211, %dma_wait3A_212] : memref<1000000x64xf32, #tpu.memory_space<hbm>> -> memref<1000000x64xf32, #tpu.memory_space<hbm>>
      tpu.wait_indirect_dma semaphore(%arg9 : memref<!tpu.dma_semaphore, #tpu.memory_space<semaphore_mem>>) src(%dma_wait3A_213 : memref<1000000x64xf32, #tpu.memory_space<hbm>>) dst(%dma_wait3A_207 : memref<128x64xf32, #tpu.memory_space<vmem>>)
      %dma_wait3A_214 = arith.constant 1 : i32
      %dma_wait3A_215 = arith.constant 0 : i32
      %dma_wait3A_216 = arith.constant 0 : i32
      %dma_wait3A_217 = tpu.memref_slice %arg7[%dma_wait3A_214, %dma_wait3A_215, %dma_wait3A_216] : memref<4x128x64xf32, #tpu.memory_space<vmem>> -> memref<1x128x64xf32, #tpu.memory_space<vmem>>
      %dma_wait3A_218 = tpu.memref_squeeze %dma_wait3A_217 : memref<1x128x64xf32, #tpu.memory_space<vmem>> -> memref<128x64xf32, #tpu.memory_space<vmem>>
      %dma_wait3A_219 = arith.constant 0 : i32
      %dma_wait3A_220 = tpu.memref_slice %arg5[%add3A_111, %dma_wait3A_219] : memref<200x128xi32, #tpu.memory_space<vmem>> -> memref<1x128xi32, #tpu.memory_space<vmem>>
      %dma_wait3A_221 = tpu.memref_squeeze %dma_wait3A_220 : memref<1x128xi32, #tpu.memory_space<vmem>> -> memref<128xi32, #tpu.memory_space<vmem>>
      %dma_wait3A_222 = arith.constant 0 : i32
      %dma_wait3A_223 = arith.constant 0 : i32
      %dma_wait3A_224 = tpu.memref_slice %arg3[%dma_wait3A_222, %dma_wait3A_223] : memref<1000000x64xf32, #tpu.memory_space<hbm>> -> memref<1000000x64xf32, #tpu.memory_space<hbm>>
      tpu.wait_indirect_dma semaphore(%arg9 : memref<!tpu.dma_semaphore, #tpu.memory_space<semaphore_mem>>) src(%dma_wait3A_224 : memref<1000000x64xf32, #tpu.memory_space<hbm>>) dst(%dma_wait3A_218 : memref<128x64xf32, #tpu.memory_space<vmem>>)
      %dma_wait3A_225 = arith.constant 2 : i32
      %dma_wait3A_226 = arith.constant 0 : i32
      %dma_wait3A_227 = arith.constant 0 : i32
      %dma_wait3A_228 = tpu.memref_slice %arg7[%dma_wait3A_225, %dma_wait3A_226, %dma_wait3A_227] : memref<4x128x64xf32, #tpu.memory_space<vmem>> -> memref<1x128x64xf32, #tpu.memory_space<vmem>>
      %dma_wait3A_229 = tpu.memref_squeeze %dma_wait3A_228 : memref<1x128x64xf32, #tpu.memory_space<vmem>> -> memref<128x64xf32, #tpu.memory_space<vmem>>
      %dma_wait3A_230 = arith.constant 0 : i32
      %dma_wait3A_231 = tpu.memref_slice %arg5[%add3A_126, %dma_wait3A_230] : memref<200x128xi32, #tpu.memory_space<vmem>> -> memref<1x128xi32, #tpu.memory_space<vmem>>
      %dma_wait3A_232 = tpu.memref_squeeze %dma_wait3A_231 : memref<1x128xi32, #tpu.memory_space<vmem>> -> memref<128xi32, #tpu.memory_space<vmem>>
      %dma_wait3A_233 = arith.constant 0 : i32
      %dma_wait3A_234 = arith.constant 0 : i32
      %dma_wait3A_235 = tpu.memref_slice %arg3[%dma_wait3A_233, %dma_wait3A_234] : memref<1000000x64xf32, #tpu.memory_space<hbm>> -> memref<1000000x64xf32, #tpu.memory_space<hbm>>
      tpu.wait_indirect_dma semaphore(%arg9 : memref<!tpu.dma_semaphore, #tpu.memory_space<semaphore_mem>>) src(%dma_wait3A_235 : memref<1000000x64xf32, #tpu.memory_space<hbm>>) dst(%dma_wait3A_229 : memref<128x64xf32, #tpu.memory_space<vmem>>)
      %dma_wait3A_236 = arith.constant 3 : i32
      %dma_wait3A_237 = arith.constant 0 : i32
      %dma_wait3A_238 = arith.constant 0 : i32
      %dma_wait3A_239 = tpu.memref_slice %arg7[%dma_wait3A_236, %dma_wait3A_237, %dma_wait3A_238] : memref<4x128x64xf32, #tpu.memory_space<vmem>> -> memref<1x128x64xf32, #tpu.memory_space<vmem>>
      %dma_wait3A_240 = tpu.memref_squeeze %dma_wait3A_239 : memref<1x128x64xf32, #tpu.memory_space<vmem>> -> memref<128x64xf32, #tpu.memory_space<vmem>>
      %dma_wait3A_241 = arith.constant 0 : i32
      %dma_wait3A_242 = tpu.memref_slice %arg5[%add3A_141, %dma_wait3A_241] : memref<200x128xi32, #tpu.memory_space<vmem>> -> memref<1x128xi32, #tpu.memory_space<vmem>>
      %dma_wait3A_243 = tpu.memref_squeeze %dma_wait3A_242 : memref<1x128xi32, #tpu.memory_space<vmem>> -> memref<128xi32, #tpu.memory_space<vmem>>
      %dma_wait3A_244 = arith.constant 0 : i32
      %dma_wait3A_245 = arith.constant 0 : i32
      %dma_wait3A_246 = tpu.memref_slice %arg3[%dma_wait3A_244, %dma_wait3A_245] : memref<1000000x64xf32, #tpu.memory_space<hbm>> -> memref<1000000x64xf32, #tpu.memory_space<hbm>>
      tpu.wait_indirect_dma semaphore(%arg9 : memref<!tpu.dma_semaphore, #tpu.memory_space<semaphore_mem>>) src(%dma_wait3A_246 : memref<1000000x64xf32, #tpu.memory_space<hbm>>) dst(%dma_wait3A_240 : memref<128x64xf32, #tpu.memory_space<vmem>>)
      %add3A_247 = arith.constant 1 : i32
      %add3A_248 = arith.addi %mul3A_24, %add3A_247 : i32
      %mul3A_249 = arith.constant 4 : i32
      %mul3A_250 = arith.muli %add3A_248, %mul3A_249 : i32
      %dma_start3A_251 = arith.constant 0 : i32
      %dma_start3A_252 = tpu.memref_slice %arg4[%mul3A_250, %mul3A_2, %dma_start3A_251] : memref<200x4096x64xf32, #tpu.memory_space<hbm>> -> memref<4x128x64xf32, #tpu.memory_space<hbm>>
      %dma_start3A_253 = arith.constant 0 : i32
      %dma_start3A_254 = tpu.memref_slice %arg4[%mul3A_250, %mul3A_2, %dma_start3A_253] : memref<200x4096x64xf32, #tpu.memory_space<hbm>> -> memref<4x128x64xf32, #tpu.memory_space<hbm>>
      tpu.enqueue_dma source(%arg7 : memref<4x128x64xf32, #tpu.memory_space<vmem>>) target(%dma_start3A_254 : memref<4x128x64xf32, #tpu.memory_space<hbm>>) target_semaphore(%arg11 : memref<!tpu.dma_semaphore, #tpu.memory_space<semaphore_mem>>)
    }
    %scan3A_6 = arith.constant 25 : i32
    %dma_wait3A = arith.constant 0 : i32
    %dma_wait3A_7 = arith.constant 0 : i32
    %dma_wait3A_8 = tpu.memref_slice %arg4[%dma_wait3A, %mul3A_2, %dma_wait3A_7] : memref<200x4096x64xf32, #tpu.memory_space<hbm>> -> memref<4x128x64xf32, #tpu.memory_space<hbm>>
    %dma_wait3A_9 = arith.constant 0 : i32
    %dma_wait3A_10 = arith.constant 0 : i32
    %dma_wait3A_11 = tpu.memref_slice %arg4[%dma_wait3A_9, %mul3A_2, %dma_wait3A_10] : memref<200x4096x64xf32, #tpu.memory_space<hbm>> -> memref<4x128x64xf32, #tpu.memory_space<hbm>>
    tpu.wait_dma2 semaphore(%arg10 : memref<!tpu.dma_semaphore, #tpu.memory_space<semaphore_mem>>) src(%arg6 : memref<4x128x64xf32, #tpu.memory_space<vmem>>) dst(%dma_wait3A_11 : memref<4x128x64xf32, #tpu.memory_space<hbm>>)
    %dma_wait3A_12 = arith.constant 0 : i32
    %dma_wait3A_13 = arith.constant 0 : i32
    %dma_wait3A_14 = tpu.memref_slice %arg4[%dma_wait3A_12, %mul3A_2, %dma_wait3A_13] : memref<200x4096x64xf32, #tpu.memory_space<hbm>> -> memref<4x128x64xf32, #tpu.memory_space<hbm>>
    %dma_wait3A_15 = arith.constant 0 : i32
    %dma_wait3A_16 = arith.constant 0 : i32
    %dma_wait3A_17 = tpu.memref_slice %arg4[%dma_wait3A_15, %mul3A_2, %dma_wait3A_16] : memref<200x4096x64xf32, #tpu.memory_space<hbm>> -> memref<4x128x64xf32, #tpu.memory_space<hbm>>
    tpu.wait_dma2 semaphore(%arg11 : memref<!tpu.dma_semaphore, #tpu.memory_space<semaphore_mem>>) src(%arg7 : memref<4x128x64xf32, #tpu.memory_space<vmem>>) dst(%dma_wait3A_17 : memref<4x128x64xf32, #tpu.memory_space<hbm>>)
    return
  }
}

</mosaic_0001>

<sc_bundles>
// kernel: kernel.3.cloned.1.call-start
scs
__scs_entry_jumppad:
0x0: {  	(pc) =	sbr.rel $0x88, $3  }
0x1: {  	(tag) =	ssettag $0x0;
	lr =	simm.s32 $0x1  }
0x2: {  	[smem:$0x3F9F] =	sst lr;
	_ =	strace $0xD0000000  }
0x3: {  	_ = 	snop  }
0x4: {  	_ = 	snop  }
0x5: {  	_ = 	snop  }
0x6: {  	_ = 	snop  }
0x7: {  	_ = 	snop  }
__scs_overlays_trampoline_lowered:
0x8: {  	[smem:$0x3FAE] =	sst s0  }
0x9: {  	[smem:$0x3FAF] =	sst s1  }
0xa: {  	[smem:$0x3FB0] =	sst s2  }
0xb: {  	[smem:$0x3FB1] =	sst s3  }
0xc: {  	[smem:$0x3FB2] =	sst s4  }
0xd: {  	[smem:$0x3FB3] =	sst s5  }
0xe: {  	[smem:$0x3FB4] =	sst s6  }
0xf: {  	[smem:$0x3FB5] =	sst s7  }
0x10: {  	[smem:$0x3FB6] =	sst s8  }
0x11: {  	[smem:$0x3FB7] =	sst s9;
	s0 =	simm.s32 @!p0 $0x0  }
0x12: {  	s1 =	sld [smem:$0x3F9D];
	s0 =	simm.s32 @p0 $0x1  }
0x13: {  	[smem:$0x3FB8] =	sst s0;
	s0 =	simm.s32 @!p1 $0x0  }
0x14: {  	s2 =	sld [smem:$0x3F9C];
	s0 =	simm.s32 @p1 $0x1  }
0x15: {  	[smem:$0x3FB9] =	sst s0;
	s0 =	simm.s32 @!p2 $0x0  }
0x16: {  	s3 =	sld [smem:$0x3FDB];
	s0 =	simm.s32 @p2 $0x1  }
0x17: {  	s4 =	simm.s32 $0x1BF5;
	[smem:$0x3FBB] =	sst s0  }
0x18: {  	s0 =	sld [smem:$0x3F9E];
	_ =	swait.ge [sflag:s4], $0x0  }
0x19: {  	s7 =	sld [smem:$0x3F9F]  }
0x1a: {  	s8 =	sadd.s32 $0xFFFFE003, lr  }
0x1b: {  	s9 =	sadd.s32 $0xFFFFFEF7, lr;
	s5 =	simm.s32 $0xFFFFFFFF;
	p2 =	slt.u32 s8, $0xFFFFF086  }
0x1c: {  	p1 =	slt.u32 s9, $0xF7A;
	s5 =	simm.s32 @!p2 $0x0  }
0x1d: {  	s5 =	simm.s32 @p1 $0x1;
	p0 =	seq.s32 s7, s2  }
0x1e: {  	s7 =	smul.u32 @!p0 $0xF7A, s2;
	p2 =	seq.s32 @!p0 s5, $0x0  }
0x1f: {  	s9 =	smul.u32 $0xF7A, s1;
	s8 =	simm.s32 @!p0 $0x1BF5;
	p2 =	por !p2, p0  }
0x20: {  	[sflag:s8] =	ssyncset.s32 @!p0 $0xFFFFF086;
	s6 =	sadd.s32 @!p0 s3, s7;
	s7 =	simm.s32 @!p0 $0x108  }
0x21: {  	s3 =	sadd.s32 s3, s9;
	s6 =	sadd.s32 @!p0 $0x88, s6;
	s7 =	simm.s32 @p2 $0x1082  }
0x22: {  	[simem:s7], [sflag:s8] =	dma.local @!p0 [hbm:s6], $0xF7A  }
0x23: {  	s9 =	sor.u32 $0xD0000000, s2;
	s6 =	simm.s32 $0x108;
	_ =	swait.ge @!p0 [sflag:s8], $0x0  }
0x24: {  	s3 =	sadd.s32 $0x88, s3;
	s6 =	simm.s32 @!p1 $0x1082;
	[sflag:s4] =	ssyncset.s32 $0xFFFFF086  }
0x25: {  	[simem:s6], [sflag:s4] =	dma.local [hbm:s3], $0xF7A  }
0x26: {  	[smem:$0x3F9F] =	sst s1;
	(tag) =	ssettag s2;
	_ =	strace s9  }
0x27: {  	s1 =	sld [smem:$0x3FAF]  }
0x28: {  	s2 =	sld [smem:$0x3FB0]  }
0x29: {  	s4 =	sld [smem:$0x3FB2]  }
0x2a: {  	p0 =	seq.s32 s5, $0x0;
	s5 =	sld [smem:$0x3FB3]  }
0x2b: {  	s6 =	sld [smem:$0x3FB4]  }
0x2c: {  	s7 =	sld [smem:$0x3FB5]  }
0x2d: {  	s3 =	simm.s32 $0x108;
	s8 =	sld [smem:$0x3FB6]  }
0x2e: {  	s3 =	simm.s32 @!p0 $0x1082;
	s9 =	sld [smem:$0x3FB7]  }
0x2f: {  	lr =	sadd.s32 s0, s3;
	s0 =	sld [smem:$0x3FAE]  }
0x30: {  	s3 =	sld [smem:$0x3FB1]  }
0x31: {  	[smem:$0x3FBA] =	sst s10  }
0x32: {  	s10 =	sld [smem:$0x3FB8];
	_ =	sdelay $0x3  }
0x33: {  	p0 =	seq.s32 s10, $0x1;
	s10 =	sld [smem:$0x3FBA];
	_ =	sdelay $0x3  }
0x34: {  	[smem:$0x3FBA] =	sst s10  }
0x35: {  	s10 =	sld [smem:$0x3FB9];
	_ =	sdelay $0x3  }
0x36: {  	p1 =	seq.s32 s10, $0x1;
	s10 =	sld [smem:$0x3FBA];
	_ =	sdelay $0x3  }
0x37: {  	[smem:$0x3FBA] =	sst s10  }
0x38: {  	s10 =	sld [smem:$0x3FBB]  }
0x39: {  	_ = 	snop;
	(pc) =	sbr.ind lr, $3  }
0x3a: {  	_ = 	snop  }
0x3b: {  	_ = 	snop  }
0x3c: {  	p2 =	seq.s32 s10, $0x1;
	s10 =	sld [smem:$0x3FBA]  }
0x3d: {  	_ =	shalt  }
0x3e: {  	_ =	shalt  }
0x3f: {  	_ =	shalt  }
0x40: {  	_ =	shalt  }
0x41: {  	_ =	shalt  }
0x42: {  	_ =	shalt  }
0x43: {  	_ =	shalt  }
0x44: {  	_ =	shalt  }
0x45: {  	_ =	shalt  }
0x46: {  	_ =	shalt  }
0x47: {  	_ =	shalt  }
0x48: {  	_ =	shalt  }
0x49: {  	_ =	shalt  }
0x4a: {  	_ =	shalt  }
0x4b: {  	_ =	shalt  }
0x4c: {  	_ =	shalt  }
0x4d: {  	_ =	shalt  }
0x4e: {  	_ =	shalt  }
0x4f: {  	_ =	shalt  }
0x50: {  	_ =	shalt  }
0x51: {  	_ =	shalt  }
0x52: {  	_ =	shalt  }
0x53: {  	_ =	shalt  }
0x54: {  	_ =	shalt  }
0x55: {  	_ =	shalt  }
0x56: {  	_ =	shalt  }
0x57: {  	_ =	shalt  }
0x58: {  	_ =	shalt  }
0x59: {  	_ =	shalt  }
0x5a: {  	_ =	shalt  }
0x5b: {  	_ =	shalt  }
0x5c: {  	_ =	shalt  }
0x5d: {  	_ =	shalt  }
0x5e: {  	_ =	shalt  }
0x5f: {  	_ =	shalt  }
0x60: {  	_ =	shalt  }
0x61: {  	_ =	shalt  }
0x62: {  	_ =	shalt  }
0x63: {  	_ =	shalt  }
0x64: {  	_ =	shalt  }
0x65: {  	_ =	shalt  }
0x66: {  	_ =	shalt  }
0x67: {  	_ =	shalt  }
0x68: {  	_ =	shalt  }
0x69: {  	_ =	shalt  }
0x6a: {  	_ =	shalt  }
0x6b: {  	_ =	shalt  }
0x6c: {  	_ =	shalt  }
0x6d: {  	_ =	shalt  }
0x6e: {  	_ =	shalt  }
0x6f: {  	_ =	shalt  }
0x70: {  	_ =	shalt  }
0x71: {  	_ =	shalt  }
0x72: {  	_ =	shalt  }
0x73: {  	_ =	shalt  }
0x74: {  	_ =	shalt  }
0x75: {  	_ =	shalt  }
0x76: {  	_ =	shalt  }
0x77: {  	_ =	shalt  }
0x78: {  	_ =	shalt  }
0x79: {  	_ =	shalt  }
0x7a: {  	_ =	shalt  }
0x7b: {  	_ =	shalt  }
0x7c: {  	_ =	shalt  }
0x7d: {  	_ =	shalt  }
0x7e: {  	_ =	shalt  }
0x7f: {  	_ =	shalt  }
0x80: {  	_ =	shalt  }
0x81: {  	_ =	shalt  }
0x82: {  	_ =	shalt  }
0x83: {  	_ =	shalt  }
0x84: {  	_ =	shalt  }
0x85: {  	_ =	shalt  }
0x86: {  	_ =	shalt  }
0x87: {  	_ =	shalt  }
.Lfunc_end0:
.L_simem_size_0:
called_computation.1_lowered:
.L_overlay_start_0:
0x88: {  	s2 =	sld [smem:$0x3FD9]  }
0x89: {  	s3 =	sld [smem:$0x3FFE];
	_ =	sdelay $0x1  }
0x8a: {  	s1 =	srdreg.scid  }
0x8b: {  	s0 =	sand.u32 $0x1, s1  }
0x8c: {  	s17 =	sshll.u32 s0, $0xA;
	s2 =	sadd.s32 s3, s2  }
0x8d: {  	s2 =	sadd.s32 s2, s17  }
0x8e: {  	[smem:$0x3FC6] =	sst s2  }
0x8f: {  	_ = 	snop  }
0x90: {  	s2 =	sld [smem:$0x3FD0];
	(tm) =	ssettm $0x1  }
0x91: {  	s18 =	sld [smem:$0x3FFB];
	_ =	sdelay $0x3  }
0x92: {  	_ =	strace s18  }
0x93: {  	s3 =	sld [smem:$0x3FFC];
	_ =	sdelay $0x3  }
0x94: {  	_ =	strace s3  }
0x95: {  	s3 =	sld [smem:$0x3FFD];
	_ =	sdelay $0x3  }
0x96: {  	_ =	strace s3  }
0x97: {  	_ =	strace $0x8FFFFFFF  }
0x98: {  	s19 =	sld [smem:$0x3FDB];
	_ =	sdelay $0x1  }
0x99: {  	s4 =	simm.s32 $_scs_section_size  }
0x9a: {  	s5 =	simm.s32 $_size__tile_overlayer_lowered;
	s6 =	simm.s32 $_tile_overlayer_lowered  }
0x9b: {  	s22 =	simm.s32 $0x1BFF;
	s21 =	sshll.u32 s6, $0x1;
	s3 =	sadd.s32 s4, s19  }
0x9c: {  	s7 =	simm.s32 $0x0;
	s20 =	sshll.u32 s5, $0x1;
	s5 =	sadd.s32 s21, s3  }
0x9d: {  	[timem:s7], [sflag:s22] =	dma.local [hbm:s5], s20  }
0x9e: {  	_ =	swait.ge [sflag:s22], s20  }
0x9f: {  	s4 =	ssub.s32 $0x0, s20;
	[sflag:s22] =	ssyncset.done $0x0  }
0xa0: {  	[sflag:s22] =	ssyncadd.s32 s4;
	_ =	sdelay $0x1  }
0xa1: {  	s23 =	simm.s32 $0x1B8B  }
0xa2: {  	_ =	swait.ge [sflag:s23], $0x1  }
0xa3: {  	[sflag:s23] =	ssyncset.done $0x0  }
0xa4: {  	s25 =	simm.s32 $0x1B8E;
	s24 =	sld [smem:$0x3FFE];
	[sflag:s23] =	ssyncadd.s32 $0xFFFFFFFF  }
0xa5: {  	s26 =	simm.s32 $execute0_lowered;
	[smem:$0x3FD2] =	sst s25  }
0xa6: {  	s5 =	sshll.u32 s26, $0x1;
	_ =	strace $0x80000046;
	[dreg:$0x1] =	wrdreg $0xFFFFFFFF  }
0xa7: {  	s28 =	simm.s32 $_size_execute0_lowered;
	s3 =	sadd.s32 s3, s5;
	[dreg:$0x0] =	wrdreg $0x0  }
0xa8: {  	s5 =	sshll.u32 s28, $0x1;
	[dreg:$0x2] =	wrdreg s3  }
0xa9: {  	[dreg:$0x3] =	wrdreg s5  }
0xaa: {  	[dreg:$0x4] =	wrdreg $0xC0  }
0xab: {  	_ =	task [dreg:s7], $0x5FFFF  }
0xac: {  	[dreg:$0x1] =	wrdreg $0xFFFFFFFF  }
0xad: {  	[dreg:$0x0] =	wrdreg $0x60  }
0xae: {  	[dreg:$0x2] =	wrdreg s24  }
0xaf: {  	[dreg:$0x3] =	wrdreg s2  }
0xb0: {  	[dreg:$0x4] =	wrdreg $0x9  }
0xb1: {  	_ =	task.clear_ibuf [dreg:s7], $0x5FFFF;
	_ =	strace $0x90000046  }
0xb2: {  	s29 =	simm.s32 $0x9;
	_ =	strace $0x80000048  }
0xb3: {  	_ =	swait.ge [sflag:s29], $0x1  }
0xb4: {  	[sflag:s29] =	ssyncadd.s32 $0xFFFFFFFF  }
0xb5: {  	_ =	strace $0x90000048  }
0xb6: {  	_ =	sfence  }
0xb7: {  	s30 =	sld [smem:$0x0];
	_ =	sdelay $0x2  }
0xb8: {  	s31 =	sshll.u32 s1, $0xD;
	s1 =	sshrl.u32 s1, $0x2  }
0xb9: {  	s3 =	sand.u32 $0x4000, s31;
	s1 =	sadd.s32 s1, s30  }
0xba: {  	s0 =	sor.u32 s3, s0;
	s1 =	sshll.u32 s1, $0x11  }
0xbb: {  	s0 =	sor.u32 s1, s0  }
0xbc: {  	s0 =	sadd.s32 $0x8F2B, s0  }
0xbd: {  	[sflag:s0] =	ssyncadd.remote.s32 $0x1  }
0xbe: {  	_ =	sfence.sel $0xFFFF  }
0xbf: {  	[dreg:$0x0] =	wrdreg $0xFFFFFFFF;
	(pc) =	sbr.abs _section_cstart, $3  }
0xc0: {  	[dreg:$0x1] =	wrdreg $0xFFFFFFFF  }
0xc1: {  	_ =	task.clear_ibuf [dreg:s7], $0x2FFFF;
	_ =	strace $0x9FFFFFFF  }
0xc2: {  	(tm) =	ssettm $0x7FFFFFFF  }
0xc3: {  	_ =	shalt  }
tec
execute0_lowered:
.L_overlay_start_1:
0x0: {  	(tag) =	ssettag $0x1  }
0x1: {  	s0 =	srdreg.scid;
	s1 =	rddreg [dreg:$0x0]  }
0x2: {  	s3 =	stileid.u32;
	s2 =	rddreg [dreg:$0x1]  }
0x3: {  	s7 =	simm.s32 $0x0;
	s11 =	simm.s32 $0x80;
	s13 =	simm.s32 $0x5  }
0x4: {  	s14 =	simm.s32 $0x6400;
	s15 =	simm.s32 $0x8400;
	s17 =	simm.s32 $0xA400  }
0x5: {  	s19 =	simm.s32 $0xC400;
	s28 =	simm.s32 $0x14400;
	s29 =	simm.s32 $0x1  }
0x6: {  	s30 =	simm.s32 $0x2000;
	s31 =	simm.s32 $0x40000;
	s12 =	simm.s32 $0x4  }
0x7: {  	s16 =	simm.s32 $0x0;
	s0 =	sand.u32 $0x1, s0;
	s4 =	sshll.u32 s3, $0x8  }
0x8: {  	[smem:$0x7FF] =	sst s7;
	s9 =	sshll.u32 s3, $0xE;
	s5 =	sshll.u32 s0, $0x7  }
0x9: {  	_ =	strace $0x80000047;
	s22 =	ssub.s32 $0x2, s0;
	s0 =	sshll.u32 s0, $0xD  }
0xa: {  	s6 =	sor.u32 s5, s4;
	s8 =	sshrl.u32 s22, $0x1;
	s0 =	sor.u32 s0, s9  }
0xb: {  	s4 =	sshrl.u32 s6, $0x3;
	s23 =	ssub.s32 s22, s8;
	s24 =	sshll.u32 s6, $0x3  }
0xc: {  	s25 =	sor.u32 $0x300000, s0;
	s9 =	sor.u32 $0x200000, s0;
	s0 =	simm.s32 $0x3  }
0xd: {  	s21 =	sadd.s32 s4, s1;
	s4 =	sadd.s32 $0xF42E00, s1;
	s6 =	smax.u32 s23, $0x1  }
0xe: {  	s7 =	sadd.s32 s2, s24;
	s26 =	sshrl.u32 s25, $0x3;
	s23 =	simm.s32 $0x10400  }
0xf: {  	s25 =	simm.s32 $0x12400;
	s1 =	simm.s32 $0x2;
	s5 =	sadd.s32 $0xA00, s21  }
0x10: {  	s8 =	sadd.s32 $0x20000, s7;
	s24 =	sadd.s32 s26, s2;
	s21 =	simm.s32 $0xE400  }
.LBB2_1:
0x11: {  	s3 =	simm.s32 $0x0;
	s10 =	simm.s32 $0x1000  }
0x12: {  	[tilespmem:s3], [sflag:$0x5] =	stream.strided.gather [hbm4b:s5+s11], $0x6400, s10, s11, $0x38;
	[tilespmem:$0x16400] =	vst v63  }
0x13: {  	_ =	swait.ge [sflag:s13], $0x6400  }
0x14: {  	[sflag:s13] =	ssyncset.done $0x0  }
0x15: {  	[sflag:s13] =	ssyncadd.s32 $0xFFFF9C00  }
0x16: {  	[tilespmem:s14], [sflag:$0x1] =	stream.indirect.gather [hbm4b:s4+s11], $0x40, s3, s11, $0xb8;
	[tilespmem:$0x16400] =	vst v63  }
0x17: {  	_ = 	snop  }
0x18: {  	[tilespmem:s15], [sflag:$0x1] =	stream.indirect.gather [hbm4b:s4+s11], $0x40, s11, s11, $0xb8;
	[tilespmem:$0x16400] =	vst v63  }
0x19: {  	s10 =	simm.s32 $0x100  }
0x1a: {  	[tilespmem:s17], [sflag:$0x1] =	stream.indirect.gather [hbm4b:s4+s11], $0x40, s10, s11, $0xb8;
	[tilespmem:$0x16400] =	vst v63  }
0x1b: {  	s18 =	simm.s32 $0x180  }
0x1c: {  	[tilespmem:s19], [sflag:$0x1] =	stream.indirect.gather [hbm4b:s4+s11], $0x40, s18, s11, $0xb8;
	[tilespmem:$0x16400] =	vst v63  }
0x1d: {  	s20 =	simm.s32 $0x200  }
0x1e: {  	[tilespmem:s21], [sflag:$0x2] =	stream.indirect.gather [hbm4b:s4+s11], $0x40, s20, s11, $0xb8;
	[tilespmem:$0x16400] =	vst v63  }
0x1f: {  	s22 =	simm.s32 $0x280  }
0x20: {  	[tilespmem:s23], [sflag:$0x2] =	stream.indirect.gather [hbm4b:s4+s11], $0x40, s22, s11, $0xb8;
	[tilespmem:$0x16400] =	vst v63  }
0x21: {  	s26 =	simm.s32 $0x300  }
0x22: {  	[tilespmem:s25], [sflag:$0x2] =	stream.indirect.gather [hbm4b:s4+s11], $0x40, s26, s11, $0xb8;
	[tilespmem:$0x16400] =	vst v63  }
0x23: {  	s10 =	simm.s32 $0x380  }
0x24: {  	[tilespmem:s28], [sflag:$0x2] =	stream.indirect.gather [hbm4b:s4+s11], $0x40, s10, s11, $0xb8;
	[tilespmem:$0x16400] =	vst v63  }
0x25: {  	_ =	swait.ge [sflag:s29], $0x2000  }
0x26: {  	[sflag:s29] =	ssyncset.done $0x0  }
0x27: {  	[sflag:s29] =	ssyncadd.s32 $0xFFFFE000  }
0x28: {  	_ =	swait.ge [sflag:s29], $0x2000  }
0x29: {  	[sflag:s29] =	ssyncset.done $0x0  }
0x2a: {  	[sflag:s29] =	ssyncadd.s32 $0xFFFFE000  }
0x2b: {  	_ =	swait.ge [sflag:s29], $0x2000  }
0x2c: {  	[sflag:s29] =	ssyncset.done $0x0  }
0x2d: {  	[sflag:s29] =	ssyncadd.s32 $0xFFFFE000  }
0x2e: {  	_ =	swait.ge [sflag:s29], $0x2000  }
0x2f: {  	[sflag:s29] =	ssyncset.done $0x0  }
0x30: {  	[sflag:s29] =	ssyncadd.s32 $0xFFFFE000  }
0x31: {  	[hbm4b:s7+s30] =	stream.strided.scatter [tilespmem:s14], [sflag:$0x3], $0x8000, s31, s30, $0x38;
	[tilespmem:$0x16400] =	vst v63  }
0x32: {  	_ =	swait.ge [sflag:s1], $0x2000  }
0x33: {  	[sflag:s1] =	ssyncset.done $0x0  }
0x34: {  	[sflag:s1] =	ssyncadd.s32 $0xFFFFE000  }
0x35: {  	_ =	swait.ge [sflag:s1], $0x2000  }
0x36: {  	[sflag:s1] =	ssyncset.done $0x0  }
0x37: {  	[sflag:s1] =	ssyncadd.s32 $0xFFFFE000  }
0x38: {  	_ =	swait.ge [sflag:s1], $0x2000  }
0x39: {  	[sflag:s1] =	ssyncset.done $0x0  }
0x3a: {  	[sflag:s1] =	ssyncadd.s32 $0xFFFFE000  }
0x3b: {  	_ =	swait.ge [sflag:s1], $0x2000  }
0x3c: {  	[sflag:s1] =	ssyncset.done $0x0  }
0x3d: {  	[sflag:s1] =	ssyncadd.s32 $0xFFFFE000  }
0x3e: {  	[hbm4b:s8+s30] =	stream.strided.scatter [tilespmem:s21], [sflag:$0x4], $0x8000, s31, s30, $0x38;
	[tilespmem:$0x16400] =	vst v63  }
0x3f: {  	_ =	swait.ge [sflag:s0], $0x8000  }
0x40: {  	[sflag:s0] =	ssyncset.done $0x0  }
0x41: {  	s18 =	simm.s32 $0x400;
	[sflag:s0] =	ssyncadd.s32 $0xFFFF8000  }
0x42: {  	[tilespmem:s14], [sflag:$0x1] =	stream.indirect.gather [hbm4b:s4+s11], $0x40, s18, s11, $0xb8;
	[tilespmem:$0x16400] =	vst v63  }
0x43: {  	s20 =	simm.s32 $0x480  }
0x44: {  	[tilespmem:s15], [sflag:$0x1] =	stream.indirect.gather [hbm4b:s4+s11], $0x40, s20, s11, $0xb8;
	[tilespmem:$0x16400] =	vst v63  }
0x45: {  	s22 =	simm.s32 $0x500  }
0x46: {  	[tilespmem:s17], [sflag:$0x1] =	stream.indirect.gather [hbm4b:s4+s11], $0x40, s22, s11, $0xb8;
	[tilespmem:$0x16400] =	vst v63  }
0x47: {  	s26 =	simm.s32 $0x580  }
0x48: {  	[tilespmem:s19], [sflag:$0x1] =	stream.indirect.gather [hbm4b:s4+s11], $0x40, s26, s11, $0xb8;
	[tilespmem:$0x16400] =	vst v63  }
0x49: {  	_ =	swait.ge [sflag:s12], $0x8000  }
0x4a: {  	[sflag:s12] =	ssyncset.done $0x0  }
0x4b: {  	s3 =	simm.s32 $0x600;
	[sflag:s12] =	ssyncadd.s32 $0xFFFF8000  }
0x4c: {  	[tilespmem:s21], [sflag:$0x2] =	stream.indirect.gather [hbm4b:s4+s11], $0x40, s3, s11, $0xb8;
	[tilespmem:$0x16400] =	vst v63  }
0x4d: {  	s18 =	simm.s32 $0x680  }
0x4e: {  	[tilespmem:s23], [sflag:$0x2] =	stream.indirect.gather [hbm4b:s4+s11], $0x40, s18, s11, $0xb8;
	[tilespmem:$0x16400] =	vst v63  }
0x4f: {  	s20 =	simm.s32 $0x700  }
0x50: {  	[tilespmem:s25], [sflag:$0x2] =	stream.indirect.gather [hbm4b:s4+s11], $0x40, s20, s11, $0xb8;
	[tilespmem:$0x16400] =	vst v63  }
0x51: {  	s22 =	simm.s32 $0x780  }
0x52: {  	[tilespmem:s28], [sflag:$0x2] =	stream.indirect.gather [hbm4b:s4+s11], $0x40, s22, s11, $0xb8;
	[tilespmem:$0x16400] =	vst v63  }
0x53: {  	_ =	swait.ge [sflag:s29], $0x2000  }
0x54: {  	[sflag:s29] =	ssyncset.done $0x0  }
0x55: {  	[sflag:s29] =	ssyncadd.s32 $0xFFFFE000  }
0x56: {  	_ =	swait.ge [sflag:s29], $0x2000  }
0x57: {  	[sflag:s29] =	ssyncset.done $0x0  }
0x58: {  	[sflag:s29] =	ssyncadd.s32 $0xFFFFE000  }
0x59: {  	_ =	swait.ge [sflag:s29], $0x2000  }
0x5a: {  	[sflag:s29] =	ssyncset.done $0x0  }
0x5b: {  	[sflag:s29] =	ssyncadd.s32 $0xFFFFE000  }
0x5c: {  	_ =	swait.ge [sflag:s29], $0x2000  }
0x5d: {  	s26 =	sshrl.u32 s9, $0x3;
	[sflag:s29] =	ssyncset.done $0x0  }
0x5e: {  	s10 =	sadd.s32 s2, s26;
	[sflag:s29] =	ssyncadd.s32 $0xFFFFE000  }
0x5f: {  	[hbm4b:s10+s30] =	stream.strided.scatter [tilespmem:s14], [sflag:$0x3], $0x8000, s31, s30, $0x38;
	[tilespmem:$0x16400] =	vst v63  }
0x60: {  	_ =	swait.ge [sflag:s1], $0x2000  }
0x61: {  	[sflag:s1] =	ssyncset.done $0x0  }
0x62: {  	[sflag:s1] =	ssyncadd.s32 $0xFFFFE000  }
0x63: {  	_ =	swait.ge [sflag:s1], $0x2000  }
0x64: {  	[sflag:s1] =	ssyncset.done $0x0  }
0x65: {  	[sflag:s1] =	ssyncadd.s32 $0xFFFFE000  }
0x66: {  	_ =	swait.ge [sflag:s1], $0x2000  }
0x67: {  	[sflag:s1] =	ssyncset.done $0x0  }
0x68: {  	[sflag:s1] =	ssyncadd.s32 $0xFFFFE000  }
0x69: {  	_ =	swait.ge [sflag:s1], $0x2000  }
0x6a: {  	s18 =	simm.s32 $0x1000;
	s20 =	sadd.s32 $0x200000, s9;
	[sflag:s1] =	ssyncset.done $0x0  }
0x6b: {  	s22 =	sadd.s32 $0x40000, s24;
	s10 =	smov.u32 s24;
	[sflag:s1] =	ssyncadd.s32 $0xFFFFE000  }
.LBB2_2:
0x6c: {  	[hbm4b:s10+s30] =	stream.strided.scatter [tilespmem:s21], [sflag:$0x4], $0x8000, s31, s30, $0x38;
	[tilespmem:$0x16400] =	vst v63  }
0x6d: {  	s26 =	smov.u32 s18;
	s10 =	smov.u32 s22  }
0x6e: {  	p0 =	sne.s32 s18, $0x17000;
	s18 =	sadd.s32 $0x1000, s18;
	_ =	swait.ge [sflag:s0], $0x8000  }
0x6f: {  	s26 =	sshra.s32 s26, $0x2;
	[sflag:s0] =	ssyncset.done $0x0  }
0x70: {  	s3 =	sadd.s32 $0x400, s26;
	[sflag:s0] =	ssyncadd.s32 $0xFFFF8000  }
0x71: {  	[tilespmem:s14], [sflag:$0x1] =	stream.indirect.gather [hbm4b:s4+s11], $0x40, s3, s11, $0xb8;
	[tilespmem:$0x16400] =	vst v63  }
0x72: {  	s3 =	sadd.s32 $0x480, s26  }
0x73: {  	[tilespmem:s15], [sflag:$0x1] =	stream.indirect.gather [hbm4b:s4+s11], $0x40, s3, s11, $0xb8;
	[tilespmem:$0x16400] =	vst v63  }
0x74: {  	s3 =	sadd.s32 $0x500, s26  }
0x75: {  	[tilespmem:s17], [sflag:$0x1] =	stream.indirect.gather [hbm4b:s4+s11], $0x40, s3, s11, $0xb8;
	[tilespmem:$0x16400] =	vst v63  }
0x76: {  	s3 =	sadd.s32 $0x580, s26  }
0x77: {  	[tilespmem:s19], [sflag:$0x1] =	stream.indirect.gather [hbm4b:s4+s11], $0x40, s3, s11, $0xb8;
	[tilespmem:$0x16400] =	vst v63  }
0x78: {  	_ =	swait.ge [sflag:s12], $0x8000  }
0x79: {  	[sflag:s12] =	ssyncset.done $0x0  }
0x7a: {  	s3 =	sadd.s32 $0x600, s26;
	[sflag:s12] =	ssyncadd.s32 $0xFFFF8000  }
0x7b: {  	[tilespmem:s21], [sflag:$0x2] =	stream.indirect.gather [hbm4b:s4+s11], $0x40, s3, s11, $0xb8;
	[tilespmem:$0x16400] =	vst v63  }
0x7c: {  	s3 =	sadd.s32 $0x680, s26  }
0x7d: {  	[tilespmem:s23], [sflag:$0x2] =	stream.indirect.gather [hbm4b:s4+s11], $0x40, s3, s11, $0xb8;
	[tilespmem:$0x16400] =	vst v63  }
0x7e: {  	s3 =	sadd.s32 $0x700, s26  }
0x7f: {  	[tilespmem:s25], [sflag:$0x2] =	stream.indirect.gather [hbm4b:s4+s11], $0x40, s3, s11, $0xb8;
	[tilespmem:$0x16400] =	vst v63  }
0x80: {  	s3 =	sadd.s32 $0x780, s26  }
0x81: {  	[tilespmem:s28], [sflag:$0x2] =	stream.indirect.gather [hbm4b:s4+s11], $0x40, s3, s11, $0xb8;
	[tilespmem:$0x16400] =	vst v63  }
0x82: {  	_ =	swait.ge [sflag:s29], $0x2000  }
0x83: {  	[sflag:s29] =	ssyncset.done $0x0  }
0x84: {  	[sflag:s29] =	ssyncadd.s32 $0xFFFFE000  }
0x85: {  	_ =	swait.ge [sflag:s29], $0x2000  }
0x86: {  	[sflag:s29] =	ssyncset.done $0x0  }
0x87: {  	[sflag:s29] =	ssyncadd.s32 $0xFFFFE000  }
0x88: {  	_ =	swait.ge [sflag:s29], $0x2000  }
0x89: {  	[sflag:s29] =	ssyncset.done $0x0  }
0x8a: {  	[sflag:s29] =	ssyncadd.s32 $0xFFFFE000  }
0x8b: {  	_ =	swait.ge [sflag:s29], $0x2000  }
0x8c: {  	s3 =	sshrl.u32 s20, $0x3;
	[sflag:s29] =	ssyncset.done $0x0  }
0x8d: {  	s3 =	sadd.s32 s2, s3;
	[sflag:s29] =	ssyncadd.s32 $0xFFFFE000  }
0x8e: {  	[hbm4b:s3+s30] =	stream.strided.scatter [tilespmem:s14], [sflag:$0x3], $0x8000, s31, s30, $0x38;
	[tilespmem:$0x16400] =	vst v63  }
0x8f: {  	_ =	swait.ge [sflag:s1], $0x2000  }
0x90: {  	[sflag:s1] =	ssyncset.done $0x0  }
0x91: {  	[sflag:s1] =	ssyncadd.s32 $0xFFFFE000  }
0x92: {  	_ =	swait.ge [sflag:s1], $0x2000  }
0x93: {  	[sflag:s1] =	ssyncset.done $0x0  }
0x94: {  	[sflag:s1] =	ssyncadd.s32 $0xFFFFE000  }
0x95: {  	_ =	swait.ge [sflag:s1], $0x2000  }
.Ltmp0:
0x96: {  	[sflag:s1] =	ssyncset.done $0x0;
	(pc) =	sbr.rel @p0 .LBB2_2-.Ltmp0, $4  }
0x97: {  	[sflag:s1] =	ssyncadd.s32 $0xFFFFE000  }
0x98: {  	_ =	swait.ge [sflag:s1], $0x2000  }
0x99: {  	[sflag:s1] =	ssyncset.done $0x0  }
0x9a: {  	s22 =	sadd.s32 $0x40000, s22;
	s20 =	sadd.s32 $0x200000, s20;
	[sflag:s1] =	ssyncadd.s32 $0xFFFFE000  }
0x9b: {  	[hbm4b:s10+s30] =	stream.strided.scatter [tilespmem:s21], [sflag:$0x4], $0x8000, s31, s30, $0x38;
	[tilespmem:$0x16400] =	vst v63  }
0x9c: {  	s16 =	sadd.s32 $0x1, s16  }
0x9d: {  	_ =	swait.ge [sflag:s0], $0x8000;
	p0 =	sne.s32 s16, s6  }
.Ltmp1:
0x9e: {  	[sflag:s0] =	ssyncset.done $0x0;
	(pc) =	sbr.rel @p0 .LBB2_1-.Ltmp1, $4  }
0x9f: {  	[sflag:s0] =	ssyncadd.s32 $0xFFFF8000  }
0xa0: {  	_ =	swait.ge [sflag:s12], $0x8000  }
0xa1: {  	[sflag:s12] =	ssyncset.done $0x0  }
0xa2: {  	[sflag:s12] =	ssyncadd.s32 $0xFFFF8000  }
0xa3: {  	_ =	sfence.sel $0x180000  }
0xa4: {  	[bflag:$0x0] =	sbarrier.arrive $0xFFFF  }
0xa5: {  	_ =	strace $0x90000047  }
0xa6: {  	s0 =	stileid.u32;
	[bflag:$0x2] =	sbarrier.arrive $0xFFFF  }
0xa7: {  	p0 =	sne.s32 s0, $0x0;
	s0 =	rddreg [dreg:$0x2]  }
0xa8: {  	s0 =	sadd.s32 @!p0 $0x100000, s0  }
0xa9: {  	[sflag:s0] =	ssyncadd.tile.s32 @!p0 $0x1;
	_ =	shalt  }
.Lfunc_end2:
_tile_overlayer_lowered:
.L_overlay_start_2:
0xaa: {  	(tag) =	ssettag $0x2  }
0xab: {  	s0 =	rddreg [dreg:$0x0];
	s2 =	stileid.u32  }
0xac: {  	s1 =	rddreg [dreg:$0x1];
	p0 =	sne.s32 s2, $0x0  }
0xad: {  	s3 =	rddreg [dreg:$0x2];
	[bflag:$0x3] =	sbarrier.arrive $0xFFFF;
	s2 =	simm.s32 @!p0 $0x1C05  }
0xae: {  	[timem:s3], [sflag:s2] =	dma.local @!p0 [hbm:s0], s1  }
0xaf: {  	s0 =	simm.s32 @!p0 $0x5  }
0xb0: {  	_ =	swait.ge @!p0 [sflag:s0], s1  }
0xb1: {  	s1 =	ssub.s32 @!p0 $0x0, s1;
	[sflag:s0] =	ssyncset.done @!p0 $0x0  }
0xb2: {  	[sflag:s0] =	ssyncadd.s32 @!p0 s1  }
0xb3: {  	[bflag:$0x3] =	sbarrier.arrive $0xFFFF  }
0xb4: {  	_ =	shalt  }

// kernel: sparse-core-data-format-call.cloned.1.call-start
scs
called_computation_lowered:
.L_overlay_start_0:
0x0: {  	s2 =	sld [smem:$0x3FD9]  }
0x1: {  	s3 =	sld [smem:$0x3FFE];
	_ =	sdelay $0x1  }
0x2: {  	s1 =	srdreg.scid  }
0x3: {  	s0 =	sand.u32 $0x1, s1  }
0x4: {  	s18 =	sshll.u32 s0, $0xA;
	s2 =	sadd.s32 s3, s2  }
0x5: {  	s2 =	sadd.s32 s2, s18  }
0x6: {  	[smem:$0x3FC6] =	sst s2  }
0x7: {  	_ = 	snop  }
0x8: {  	s2 =	sld [smem:$0x3FD0];
	(tm) =	ssettm $0x1  }
0x9: {  	s19 =	sld [smem:$0x3FFB];
	_ =	sdelay $0x3  }
0xa: {  	_ =	strace s19  }
0xb: {  	s3 =	sld [smem:$0x3FFC];
	_ =	sdelay $0x3  }
0xc: {  	_ =	strace s3  }
0xd: {  	s3 =	sld [smem:$0x3FFD];
	_ =	sdelay $0x3  }
0xe: {  	_ =	strace s3  }
0xf: {  	_ =	strace $0x8FFFFFFF  }
0x10: {  	s20 =	sld [smem:$0x3FDB];
	_ =	sdelay $0x1  }
0x11: {  	s4 =	simm.s32 $_scs_section_size  }
0x12: {  	s5 =	simm.s32 $_size__tile_overlayer_lowered;
	s6 =	simm.s32 $_tile_overlayer_lowered  }
0x13: {  	s23 =	simm.s32 $0x1BFF;
	s22 =	sshll.u32 s6, $0x1;
	s3 =	sadd.s32 s4, s20  }
0x14: {  	s7 =	simm.s32 $0x0;
	s21 =	sshll.u32 s5, $0x1;
	s5 =	sadd.s32 s22, s3  }
0x15: {  	[timem:s7], [sflag:s23] =	dma.local [hbm:s5], s21  }
0x16: {  	_ =	swait.ge [sflag:s23], s21  }
0x17: {  	s4 =	ssub.s32 $0x0, s21;
	[sflag:s23] =	ssyncset.done $0x0  }
0x18: {  	[sflag:s23] =	ssyncadd.s32 s4;
	_ =	sdelay $0x1  }
0x19: {  	s24 =	simm.s32 $0x1B8B  }
0x1a: {  	_ =	swait.ge [sflag:s24], $0x1  }
0x1b: {  	[sflag:s24] =	ssyncset.done $0x0  }
0x1c: {  	s26 =	simm.s32 $0x1B8E;
	s25 =	sld [smem:$0x3FFE];
	[sflag:s24] =	ssyncadd.s32 $0xFFFFFFFF  }
0x1d: {  	s27 =	simm.s32 $execute0_lowered;
	[smem:$0x3FD2] =	sst s26  }
0x1e: {  	s5 =	sshll.u32 s27, $0x1;
	_ =	strace $0x80000049;
	[dreg:$0x1] =	wrdreg $0xFFFFFFFF  }
0x1f: {  	s28 =	simm.s32 $_size_execute0_lowered;
	s3 =	sadd.s32 s3, s5;
	[dreg:$0x0] =	wrdreg $0x0  }
0x20: {  	s5 =	sshll.u32 s28, $0x1;
	[dreg:$0x2] =	wrdreg s3  }
0x21: {  	[dreg:$0x3] =	wrdreg s5  }
0x22: {  	[dreg:$0x4] =	wrdreg $0xC0  }
0x23: {  	_ =	task [dreg:s7], $0x5FFFF  }
0x24: {  	[dreg:$0x1] =	wrdreg $0xFFFFFFFF  }
0x25: {  	[dreg:$0x0] =	wrdreg $0x60  }
0x26: {  	[dreg:$0x2] =	wrdreg s25  }
0x27: {  	[dreg:$0x3] =	wrdreg s2  }
0x28: {  	[dreg:$0x4] =	wrdreg $0x9  }
0x29: {  	_ =	task.clear_ibuf [dreg:s7], $0x5FFFF;
	_ =	strace $0x90000049  }
0x2a: {  	s29 =	simm.s32 $0x9;
	_ =	strace $0x8000004B  }
0x2b: {  	_ =	swait.ge [sflag:s29], $0x1  }
0x2c: {  	[sflag:s29] =	ssyncadd.s32 $0xFFFFFFFF  }
0x2d: {  	_ =	strace $0x9000004B  }
0x2e: {  	_ =	sfence  }
0x2f: {  	s30 =	sld [smem:$0x0];
	_ =	sdelay $0x2  }
0x30: {  	s31 =	sshll.u32 s1, $0xD;
	s1 =	sshrl.u32 s1, $0x2  }
0x31: {  	s3 =	sand.u32 $0x4000, s31;
	s1 =	sadd.s32 s1, s30  }
0x32: {  	s0 =	sor.u32 s3, s0;
	s1 =	sshll.u32 s1, $0x11  }
0x33: {  	s0 =	sor.u32 s1, s0  }
0x34: {  	s0 =	sadd.s32 $0x8F2B, s0  }
0x35: {  	[sflag:s0] =	ssyncadd.remote.s32 $0x1  }
0x36: {  	_ =	sfence.sel $0xFFFF  }
0x37: {  	[dreg:$0x0] =	wrdreg $0xFFFFFFFF;
	(pc) =	sbr.abs _section_cstart, $3  }
0x38: {  	[dreg:$0x1] =	wrdreg $0xFFFFFFFF  }
0x39: {  	_ =	task.clear_ibuf [dreg:s7], $0x2FFFF;
	_ =	strace $0x9FFFFFFF  }
0x3a: {  	(tm) =	ssettm $0x7FFFFFFF  }
0x3b: {  	_ =	shalt  }
tec
execute0_lowered:
.L_overlay_start_1:
0x0: {  	(tag) =	ssettag $0x1  }
0x1: {  	s0 =	srdreg.scid  }
0x2: {  	s1 =	sshll.u32 s0, $0x4  }
0x3: {  	s5 =	rddreg [dreg:$0x0];
	s0 =	stileid.u32;
	s1 =	sand.u32 $0x10, s1  }
0x4: {  	s3 =	rddreg [dreg:$0x1];
	s31 =	simm.s32 $0x2;
	s4 =	sor.u32 s0, s1  }
0x5: {  	s13 =	simm.s32 $0x0;
	s9 =	simm.s32 $0x400;
	s2 =	sshll.u32 s4, $0x7  }
0x6: {  	s10 =	simm.s32 $0x8000;
	s14 =	simm.s32 $0x0;
	s6 =	ssub.s32 $0x1000, s2  }
0x7: {  	s1 =	rddreg [dreg:$0x2];
	_ =	strace $0x8000004A;
	s7 =	sand.u32 $0xF80, s6  }
0x8: {  	s4 =	sshll.u32 s4, $0xB;
	p0 =	sne.s32 s7, $0x0;
	s7 =	simm.s32 $0x1  }
.Ltmp0:
0x9: {  	s6 =	sshrl.u32 s6, $0xC;
	s7 =	simm.s32 @!p0 $0x0;
	(pc) =	sbr.rel .LBB1_1-.Ltmp0, $4  }
0xa: {  	s8 =	sadd.s32 s4, s5;
	s4 =	simm.s32 $0x1;
	s30 =	sadd.s32 s7, s6  }
0xb: {  	s11 =	simm.s32 $0x0;
	[sflag:s4] =	ssyncpa.u1 $0x0;
	s5 =	smul.u32 $0x64, s30  }
0xc: {  	s12 =	simm.s32 $0x0;
	[sflag:s31] =	ssyncpa.u1 $0x0;
	p0 =	por $0x0, $0x0  }
0xd: {  	s6 =	sadd.s32 $0xA00, s8;
	s7 =	sadd.s32 $0x10A00, s8;
	s8 =	sor.u32 $0x1, s5  }
.LBB1_7:
0xe: {  	s15 =	sadd.s32 $0x2, s11  }
0xf: {  	p2 =	sgt.s32 s15, $0xC7  }
0x10: {  	s15 =	simm.s32 @p2 $0x0;
	p2 =	sne.s32 s12, s8  }
.Ltmp1:
0x11: {  	p1 =	slt.u32 s12, $0x2;
	(pc) =	sbr.rel @!p2 .LBB1_8-.Ltmp1, $4  }
0x12: {  	s13 =	simm.s32 @!p1 $0x2  }
0x13: {  	s16 =	sadd.s32 $0x1, s12;
	s14 =	smov.u32 s11;
	_ =	swait.ge @!p1 [sflag:s13], $0x4000  }
0x14: {  	p0 =	por !p0, !p0;
	s12 =	smov.u32 s16;
	[sflag:s13] =	ssyncset.done @!p1 $0x0  }
0x15: {  	s11 =	smov.u32 s15;
	[sflag:s13] =	ssyncadd.s32 @!p1 $0xFFFFC000;
	s13 =	smov.u32 s2  }
.LBB1_1:
0x16: {  	p1 =	sge.u32 s12, s5  }
0x17: {  	s15 =	sxor.u32 @!p1 $0xFFFFFFFF, s12  }
0x18: {  	s16 =	sshll.u32 @!p1 s11, $0x10;
	s18 =	simm.s32 @!p1 $0x40;
	s15 =	sshll.u32 @!p1 s15, $0xE  }
0x19: {  	s19 =	simm.s32 @!p1 $0x80;
	s17 =	sadd.s32 @!p1 s16, s6;
	s15 =	sand.u32 @!p1 $0x4000, s15  }
0x1a: {  	[tilespmem:s15], [sflag:$0x1] =	stream.strided.gather @!p1 [hbm4b:s17+s18], $0x2000, s19, s18, $0x38;
	[tilespmem:$0x10100] =	vst v63  }
0x1b: {  	s31 =	sadd.s32 $0xFFFFFFFF, s12;
	s16 =	sadd.s32 @!p1 s16, s7;
	s15 =	sor.u32 @!p1 $0x2000, s15  }
0x1c: {  	[tilespmem:s15], [sflag:$0x1] =	stream.strided.gather @!p1 [hbm4b:s16+s18], $0x2000, s19, s18, $0x38;
	[tilespmem:$0x10100] =	vst v63  }
0x1d: {  	p1 =	sge.u32 s31, s5  }
.Ltmp2:
0x1e: {  	_ = 	snop;
	(pc) =	sbr.rel @p1 .LBB1_7-.Ltmp2, $1  }
0x1f: {  	_ =	sdelay $0x3  }
0x20: {  	s15 =	simm.s32 $0x1;
	s17 =	sand.u32 $0x1, s12  }
0x21: {  	_ =	swait.ge [sflag:s4], $0x4000;
	s15 =	simm.s32 @!p0 $0x0;
	s17 =	smul.u32 $0x10200, s17  }
0x22: {  	p2 =	por $0x1, $0x1;
	[sflag:s4] =	ssyncset.done $0x0;
	s16 =	smul.u32 $0x10200, s15  }
0x23: {  	s18 =	sshll.u32 s15, $0x10;
	[sflag:s4] =	ssyncadd.s32 $0xFFFFC000;
	s30 =	sshrl.u32 s17, $0x2  }
0x24: {  	s31 =	sshrl.u32 s18, $0x2;
	s18 =	simm.s32 $0x0;
	s16 =	sshrl.u32 s16, $0x2  }
0x25: {  	s15 =	sor.u32 $0x8000, s30;
	s17 =	sadd.s32 $0x20, s31;
	s16 =	sor.u32 $0x8000, s16  }
.LBB1_3:
0x26: {  	s19 =	sshll.u32 s18, $0xD  }
0x27: {  	s19 =	sand.u32 $0x3FFFE000, s19  }
0x28: {  	s21 =	sadd.s32 s19, s17  }
0x29: {  	s31 =	smul.u32 $0x8100, s18;
	v3 =	vld [tilespmem:s21+$0x10]  }
0x2a: {  	v1 =	vld [tilespmem:s21+$0xFFFFFFF0]  }
0x2b: {  	s18 =	sshra.s32 s31, $0x2;
	v0 =	vld [tilespmem:s21+$0x0]  }
0x2c: {  	s18 =	sadd.s32 s18, s16;
	v2 =	vld [tilespmem:s21+$0xFFFFFFE0]  }
0x2d: {  	s19 =	sadd.s32 $0x0, s18  }
0x2e: {  	p1 =	por p2, p2;
	s20 =	simm.s32 $0x4;
	s21 =	sadd.s32 $0x40, s21;
	[tilespmem:s19+$0x1830 ss:$0x81] =	vst.msk $0xffff, v3  }
.LBB1_4:
0x2f: {  	v3 =	vld [tilespmem:s21+$0x10];
	p2 =	sne.s32 s20, $0x1FC;
	[tilespmem:s19+$0x810 ss:$0x81] =	vst.msk $0xffff, v1;
	s22 =	smov.u32 s20;
	s20 =	sadd.s32 $0x4, s20  }
.Ltmp3:
0x30: {  	v1 =	vld [tilespmem:s21+$0xFFFFFFF0];
	[tilespmem:s19+$0x1020 ss:$0x81] =	vst.msk $0xffff, v0;
	(pc) =	sbr.rel @p2 .LBB1_4-.Ltmp3, $4  }
0x31: {  	v0 =	vld [tilespmem:s21+$0x0];
	[tilespmem:s19+$0x0 ss:$0x81] =	vst.msk $0xffff, v2  }
0x32: {  	s19 =	sshra.s32 s22, $0x2;
	v2 =	vld [tilespmem:s21+$0xFFFFFFE0]  }
0x33: {  	s19 =	sadd.s32 s19, s18  }
0x34: {  	s21 =	sadd.s32 $0x40, s21;
	[tilespmem:s19+$0x1830 ss:$0x81] =	vst.msk $0xffff, v3  }
.Ltmp4:
0x35: {  	(pc) =	sbr.rel @p1 .LBB1_3-.Ltmp4, $4  }
0x36: {  	_ = 	snop  }
0x37: {  	[tilespmem:s19+$0x810 ss:$0x81] =	vst.msk $0xffff, v1  }
0x38: {  	[tilespmem:s19+$0x1020 ss:$0x81] =	vst.msk $0xffff, v0  }
0x39: {  	s18 =	simm.s32 $0x1;
	p2 =	por $0x0, $0x0;
	[tilespmem:s19+$0x0 ss:$0x81] =	vst.msk $0xffff, v2  }
.Ltmp5:
0x3a: {  	(pc) =	sbr.rel .LBB1_7-.Ltmp5, $4  }
0x3b: {  	s14 =	sshll.u32 s14, $0xF  }
0x3c: {  	s14 =	sadd.s32 s3, s14  }
0x3d: {  	s13 =	sadd.s32 s13, s14  }
0x3e: {  	[hbm4b:s13+s9] =	stream.strided.scatter [tilespmem:s15], [sflag:$0x2], $0x4000, s10, s9, $0x20;
	[tilespmem:$0x10100] =	vst v63  }
.LBB1_8:
0x3f: {  	_ =	sfence.sel $0x180000  }
0x40: {  	s2 =	simm.s32 $0x1;
	[bflag:$0x0] =	sbarrier.arrive $0xFFFF  }
0x41: {  	s31 =	simm.s32 $0x2;
	[sflag:s2] =	ssyncpa.u1 $0x1  }
0x42: {  	[sflag:s31] =	ssyncpa.u1 $0x1  }
0x43: {  	p0 =	sne.s32 s0, $0x0;
	_ =	strace $0x9000004A  }
0x44: {  	s0 =	sadd.s32 @!p0 $0x100000, s1;
	[bflag:$0x2] =	sbarrier.arrive $0xFFFF  }
0x45: {  	[sflag:s0] =	ssyncadd.tile.s32 @!p0 $0x1;
	_ =	shalt  }
.Lfunc_end1:
_tile_overlayer_lowered:
.L_overlay_start_2:
0x46: {  	(tag) =	ssettag $0x2  }
0x47: {  	s0 =	rddreg [dreg:$0x0];
	s2 =	stileid.u32  }
0x48: {  	s1 =	rddreg [dreg:$0x1];
	p0 =	sne.s32 s2, $0x0  }
0x49: {  	s3 =	rddreg [dreg:$0x2];
	[bflag:$0x3] =	sbarrier.arrive $0xFFFF;
	s2 =	simm.s32 @!p0 $0x1C01  }
0x4a: {  	[timem:s3], [sflag:s2] =	dma.local @!p0 [hbm:s0], s1  }
0x4b: {  	s0 =	simm.s32 @!p0 $0x1  }
0x4c: {  	_ =	swait.ge @!p0 [sflag:s0], s1  }
0x4d: {  	s1 =	ssub.s32 @!p0 $0x0, s1;
	[sflag:s0] =	ssyncset.done @!p0 $0x0  }
0x4e: {  	[sflag:s0] =	ssyncadd.s32 @!p0 s1  }
0x4f: {  	[bflag:$0x3] =	sbarrier.arrive $0xFFFF  }
0x50: {  	_ =	shalt  }

</sc_bundles>
